<compile_context>
chip_gen: v7x
topology: tpu7x:2x2x1
jax: 0.10.2.dev20260603
libtpu: 0.0.44.dev20260713+nightly
codegen_flags: <defaults>
</compile_context>

<pallas_src>
import functools

import jax
import jax.numpy as jnp
from jax import lax
from jax.experimental import pallas as pl
from jax.experimental.pallas import tpu as pltpu
from jax.experimental.pallas import tpu_sc as plsc

_NUM_CORES = 2
_NUM_SUBCORES = 16
_LANES = 16
_NW = _NUM_CORES * _NUM_SUBCORES

_GATHER_CHUNK = 128


def _chunks(total):
    out = []
    off = 0
    while off < total:
        size = min(_GATHER_CHUNK, total - off)
        out.append((off, size))
        off += size
    return out


_HCOLS = 128
_HROWS_PAD = 256


def _sc_body(n_nodes, n_edges, bw, bw_last, f_dim,
             x_hbm, atom_hbm, seq_hbm, partials_hbm, g_hbm,
             idx_v, rows_v, src_v, dst_v, hist_v, ridx_v, shared_h,
             gsem, hsem, esem):
    ew = n_edges // _NW
    sid = lax.axis_index("s")
    cid = lax.axis_index("c")
    wid = sid * _NUM_CORES + cid
    is_last = wid == _NW - 1
    hrows = 3 * n_nodes // _HCOLS

    gbase = wid * bw

    @pl.when(jnp.logical_not(is_last))
    def _():
        pltpu.sync_copy(atom_hbm.at[pl.ds(gbase, bw)], idx_v.at[pl.ds(0, bw)])
        for off, size in _chunks(bw):
            pltpu.async_copy(x_hbm.at[idx_v.at[pl.ds(off, size)]],
                             rows_v.at[pl.ds(off, size)], gsem)

    lbase = (_NW - 1) * bw

    @pl.when(is_last)
    def _():
        pltpu.sync_copy(atom_hbm.at[pl.ds(lbase, bw_last)],
                        idx_v.at[pl.ds(0, bw_last)])
        for off, size in _chunks(bw_last):
            pltpu.async_copy(x_hbm.at[idx_v.at[pl.ds(off, size)]],
                             rows_v.at[pl.ds(off, size)], gsem)

    ebase = wid * ew
    pltpu.async_copy(seq_hbm.at[pl.ds(ebase, ew)], src_v, esem)
    pltpu.async_copy(seq_hbm.at[pl.ds(n_edges + ebase, ew)], dst_v, esem)

    zeros = jnp.zeros((_LANES,), jnp.int32)

    @plsc.parallel_loop(0, _HROWS_PAD, step=1, unroll=2)
    def _(r):
        for c in range(0, _HCOLS, _LANES):
            hist_v[r, pl.ds(c, _LANES)] = zeros

    my_rows = pl.ds(sid * (_HROWS_PAD // _NUM_SUBCORES),
                    _HROWS_PAD // _NUM_SUBCORES)
    pltpu.sync_copy(hist_v.at[my_rows], shared_h.at[my_rows])

    lane_iota = jnp.arange(_LANES, dtype=jnp.int32)
    for j in range(0, _HROWS_PAD, _LANES):
        ridx_v[j // 128, pl.ds(j % 128, _LANES)] = lane_iota + j

    pltpu.make_async_copy(seq_hbm.at[pl.ds(ebase, ew)], src_v, esem).wait()
    pltpu.make_async_copy(seq_hbm.at[pl.ds(n_edges + ebase, ew)], dst_v,
                          esem).wait()

    @plsc.parallel_loop(0, ew, step=_LANES, unroll=4)
    def _(i):
        s = src_v[pl.ds(i, _LANES)]
        d = dst_v[pl.ds(i, _LANES)]
        bins = (d - s + 1) * n_nodes + s
        rows = bins >> 7
        cols = bins & (_HCOLS - 1)
        cnt, last = plsc.scan_count(bins)
        plsc.addupdate_scatter(hist_v, [rows, cols], cnt, mask=last)

    plsc.subcore_barrier()
    for j in range(_HROWS_PAD // 128):
        pltpu.sync_copy(hist_v.at[pl.ds(j * 128, 128)],
                        shared_h.at[ridx_v.at[j]], add=True)
    plsc.subcore_barrier()
    pltpu.async_copy(
        shared_h.at[my_rows],
        partials_hbm.at[pl.ds(cid * _HROWS_PAD
                              + sid * (_HROWS_PAD // _NUM_SUBCORES),
                              _HROWS_PAD // _NUM_SUBCORES)], hsem)

    @pl.when(jnp.logical_not(is_last))
    def _():
        for off, size in _chunks(bw):
            pltpu.make_async_copy(x_hbm.at[idx_v.at[pl.ds(off, size)]],
                                  rows_v.at[pl.ds(off, size)], gsem).wait()
        pltpu.sync_copy(rows_v.at[pl.ds(0, bw)], g_hbm.at[pl.ds(gbase, bw)])

    @pl.when(is_last)
    def _():
        for off, size in _chunks(bw_last):
            pltpu.make_async_copy(x_hbm.at[idx_v.at[pl.ds(off, size)]],
                                  rows_v.at[pl.ds(off, size)], gsem).wait()
        pltpu.sync_copy(rows_v.at[pl.ds(0, bw_last)],
                        g_hbm.at[pl.ds(lbase, bw_last)])

    pltpu.make_async_copy(
        shared_h.at[my_rows],
        partials_hbm.at[pl.ds(cid * _HROWS_PAD
                              + sid * (_HROWS_PAD // _NUM_SUBCORES),
                              _HROWS_PAD // _NUM_SUBCORES)], hsem).wait()


def _tc_body(partials_ref, g_ref, w_ref, out_ref):
    counts = jnp.sum(partials_ref[...], axis=0).astype(jnp.float32)
    coef = lax.dot_general(
        counts, w_ref[...],
        dimension_numbers=(((0,), (0,)), ((), ())),
        preferred_element_type=jnp.float32,
    )
    coef = coef + w_ref[1, :][None, :]
    out_ref[...] = coef * g_ref[...]


def kernel(x, atom_types, seq_neighs, weight):
    n_nodes, f_dim = x.shape
    n_edges = seq_neighs.shape[1]
    bw = (-(-n_nodes // _NW) + 7) // 8 * 8
    bw_last = n_nodes - bw * (_NW - 1)
    assert 0 < bw_last <= bw

    mesh = plsc.VectorSubcoreMesh(core_axis_name="c", subcore_axis_name="s")
    sc = pl.kernel(
        functools.partial(_sc_body, n_nodes, n_edges, bw, bw_last, f_dim),
        out_type=(
            jax.ShapeDtypeStruct((_NUM_CORES * _HROWS_PAD, _HCOLS),
                                 jnp.int32),
            jax.ShapeDtypeStruct((n_nodes, f_dim), jnp.float32),
        ),
        mesh=mesh,
        scratch_types=[
            pltpu.VMEM((bw,), jnp.int32),
            pltpu.VMEM((bw, f_dim), jnp.float32),
            pltpu.VMEM((n_edges // _NW,), jnp.int32),
            pltpu.VMEM((n_edges // _NW,), jnp.int32),
            pltpu.VMEM((_HROWS_PAD, _HCOLS), jnp.int32),
            pltpu.VMEM((_HROWS_PAD // 128, 128), jnp.int32),
            pltpu.VMEM_SHARED((_HROWS_PAD, _HCOLS), jnp.int32),
            pltpu.SemaphoreType.DMA,
            pltpu.SemaphoreType.DMA,
            pltpu.SemaphoreType.DMA,
        ],
        compiler_params=pltpu.CompilerParams(needs_layout_passes=False),
    )
    partials, g = sc(x, atom_types.astype(jnp.int32),
                     seq_neighs.astype(jnp.int32).reshape(-1))
    partials = (partials.reshape(_NUM_CORES, _HROWS_PAD * _HCOLS)
                [:, :3 * n_nodes].reshape(_NUM_CORES, 3, n_nodes))

    out = pl.pallas_call(
        _tc_body,
        out_shape=jax.ShapeDtypeStruct((n_nodes, f_dim), jnp.float32),
    )(partials, g, weight)
    return out

# --- scband reference (transcript-rebuilt; emitter-appended) ---
"""Pipeline reference for scband-seq-conv-31559419691085 (READ-ONLY COPY).

The authoritative reference and input builder live on the scoring server;
editing this copy changes nothing except your own understanding.
"""

import jax, jax.numpy as jnp
import numpy as np

N = 10000
E = 320000
F = 128


def setup_inputs(seed: int = 0) -> dict:
    key = jax.random.key(seed)
    k1, k2, k3, k4, k5 = jax.random.split(key, 5)
    x = jax.random.normal(k1, (N, F), dtype=jnp.float32)
    atom_types = jax.random.randint(k2, (N,), 0, N)
    # seq_neighs must satisfy (seq_neighs[1] - seq_neighs[0]) in {-1, 0, 1}
    # so that weights_indexes = diff + 1 lies in [0, 3) for indexing the (3, F) weight.
    src = jax.random.randint(k3, (E,), 1, N - 1)
    delta = jax.random.randint(k4, (E,), -1, 2)
    dst = src + delta
    # ensure indices 0 and N-1 are present as scatter destinations (torch-parity on output size)
    src = src.at[0].set(0)
    dst = dst.at[0].set(1)
    src = src.at[-1].set(N - 1)
    dst = dst.at[-1].set(N - 2)
    seq_neighs = jnp.stack([src, dst], axis=0)
    # xavier uniform init for weight of shape (3, F)
    limit = float(np.sqrt(6.0 / (3 + F)))
    weight = jax.random.uniform(k5, (3, F), minval=-limit, maxval=limit, dtype=jnp.float32)
    return {"x": x, "atom_types": atom_types, "seq_neighs": seq_neighs, "weight": weight}


def reference(x, atom_types, seq_neighs, weight):
    # seq_neighs_types = atom_types[seq_neighs]  -> [2, E]
    seq_neighs_types = jnp.take(atom_types, seq_neighs, axis=0)
    # seq_neighs_feats = x[seq_neighs_types]     -> [2, E, F]
    seq_neighs_feats = jnp.take(x, seq_neighs_types, axis=0)
    # weights_indexes = seq_neighs.diff(dim=0) + 1 -> [1, E], values in {0,1,2}
    weights_indexes = jnp.diff(seq_neighs, axis=0) + 1
    # neighs_interaction = weight[weights_indexes][0] * seq_neighs_feats[0] -> [E, F]
    neighs_interaction = jnp.take(weight, weights_indexes, axis=0)[0, :, :] * seq_neighs_feats[0, :, :]
    # scatter-add over destination index seq_neighs[0]
    neighs_interaction_scat = jax.ops.segment_sum(
        neighs_interaction, seq_neighs[0, :], num_segments=atom_types.shape[0]
    )
    # self interaction: weight[1] * x[atom_types] -> [N, F]
    self_interaction = weight[1, :] * jnp.take(x, atom_types, axis=0)
    return neighs_interaction_scat + self_interaction

if __name__ == "__main__":
    import jax
    _d = setup_inputs()
    print(jax.jit(kernel)(*tuple(_d.values())))

</pallas_src>

<mosaic_0001>
#map = affine_map<(d0, d1) -> (0, 0)>
#map1 = affine_map<(d0, d1) -> (0)>
module attributes {stable_mosaic.version = 14 : i64} {
  func.func @_sc_body(%arg0: i32, %arg1: i32, %arg2: memref<10000x128xf32, #tpu.memory_space<hbm>>, %arg3: memref<10000xi32, #tpu.memory_space<hbm>>, %arg4: memref<640000xi32, #tpu.memory_space<hbm>>, %arg5: memref<512x128xi32, #tpu.memory_space<hbm>>, %arg6: memref<10000x128xf32, #tpu.memory_space<hbm>>, %arg7: memref<320xi32, #tpu.memory_space<vmem>>, %arg8: memref<320x128xf32, #tpu.memory_space<vmem>>, %arg9: memref<10000xi32, #tpu.memory_space<vmem>>, %arg10: memref<10000xi32, #tpu.memory_space<vmem>>, %arg11: memref<256x128xi32, #tpu.memory_space<vmem>>, %arg12: memref<2x128xi32, #tpu.memory_space<vmem>>, %arg13: memref<256x128xi32, #tpu.memory_space<vmem_shared>>, %arg14: memref<!tpu.dma_semaphore, #tpu.memory_space<semaphore_mem>>, %arg15: memref<!tpu.dma_semaphore, #tpu.memory_space<semaphore_mem>>, %arg16: memref<!tpu.dma_semaphore, #tpu.memory_space<semaphore_mem>>) attributes {dimension_semantics = [#tpu.dimension_semantics<core_parallel>, #tpu.dimension_semantics<subcore_parallel>], iteration_bounds = array<i64: 2, 16>, scalar_prefetch = 0 : i64, scratch_operands = 10 : i64, tpu.core_type = #tpu.core_type<sc_vector_subcore>, window_params = [{transform_indices = #map}, {transform_indices = #map1}, {transform_indices = #map1}, {transform_indices = #map}, {transform_indices = #map}]} {
    %mul3A = arith.constant 2 : i32
    %mul3A_0 = arith.muli %arg1, %mul3A : i32
    %add3A = arith.addi %mul3A_0, %arg0 : i32
    %eq3A = arith.constant 31 : i32
    %eq3A_1 = arith.cmpi eq, %add3A, %eq3A : i32
    %mul3A_2 = arith.constant 320 : i32
    %mul3A_3 = arith.muli %add3A, %mul3A_2 : i32
    %not3A = arith.constant true
    %not3A_4 = arith.xori %eq3A_1, %not3A : i1
    %convert_element_type3A = arith.extui %not3A_4 : i1 to i32
    %cond3A = arith.constant 0 : i32
    %cond3A_5 = arith.cmpi ne, %convert_element_type3A, %cond3A : i32
    scf.if %cond3A_5 {
      "tpu.region"() ({
        %run_scoped3A_192 = tpu.sem_alloc : memref<!tpu.dma_semaphore, #tpu.memory_space<semaphore_mem>>
        %dma_start3A_193 = arith.constant 0 : i32
        %dma_start3A_194 = tpu.memref_slice %arg7[%dma_start3A_193] : memref<320xi32, #tpu.memory_space<vmem>> -> memref<320xi32, #tpu.memory_space<vmem>>
        %dma_start3A_195 = tpu.memref_slice %arg3[%mul3A_3] : memref<10000xi32, #tpu.memory_space<hbm>> -> memref<320xi32, #tpu.memory_space<hbm>>
        %dma_start3A_196 = arith.constant 0 : i32
        %dma_start3A_197 = tpu.memref_slice %arg7[%dma_start3A_196] : memref<320xi32, #tpu.memory_space<vmem>> -> memref<320xi32, #tpu.memory_space<vmem>>
        %dma_start3A_198 = tpu.memref_slice %arg3[%mul3A_3] : memref<10000xi32, #tpu.memory_space<hbm>> -> memref<320xi32, #tpu.memory_space<hbm>>
        tpu.enqueue_dma source(%dma_start3A_198 : memref<320xi32, #tpu.memory_space<hbm>>) target(%dma_start3A_197 : memref<320xi32, #tpu.memory_space<vmem>>) target_semaphore(%run_scoped3A_192 : memref<!tpu.dma_semaphore, #tpu.memory_space<semaphore_mem>>)
        %dma_wait3A_199 = arith.constant 0 : i32
        %dma_wait3A_200 = tpu.memref_slice %arg7[%dma_wait3A_199] : memref<320xi32, #tpu.memory_space<vmem>> -> memref<320xi32, #tpu.memory_space<vmem>>
        %dma_wait3A_201 = tpu.memref_slice %arg3[%mul3A_3] : memref<10000xi32, #tpu.memory_space<hbm>> -> memref<320xi32, #tpu.memory_space<hbm>>
        %dma_wait3A_202 = arith.constant 0 : i32
        %dma_wait3A_203 = tpu.memref_slice %arg7[%dma_wait3A_202] : memref<320xi32, #tpu.memory_space<vmem>> -> memref<320xi32, #tpu.memory_space<vmem>>
        %dma_wait3A_204 = tpu.memref_slice %arg3[%mul3A_3] : memref<10000xi32, #tpu.memory_space<hbm>> -> memref<320xi32, #tpu.memory_space<hbm>>
        tpu.wait_dma2 semaphore(%run_scoped3A_192 : memref<!tpu.dma_semaphore, #tpu.memory_space<semaphore_mem>>) src(%dma_wait3A_204 : memref<320xi32, #tpu.memory_space<hbm>>) dst(%dma_wait3A_203 : memref<320xi32, #tpu.memory_space<vmem>>)
        tpu.yield
      }) : () -> ()
      %dma_start3A_168 = arith.constant 0 : i32
      %dma_start3A_169 = arith.constant 0 : i32
      %dma_start3A_170 = tpu.memref_slice %arg8[%dma_start3A_168, %dma_start3A_169] : memref<320x128xf32, #tpu.memory_space<vmem>> -> memref<128x128xf32, #tpu.memory_space<vmem>>
      %dma_start3A_171 = arith.constant 0 : i32
      %dma_start3A_172 = tpu.memref_slice %arg7[%dma_start3A_171] : memref<320xi32, #tpu.memory_space<vmem>> -> memref<128xi32, #tpu.memory_space<vmem>>
      %dma_start3A_173 = arith.constant 0 : i32
      %dma_start3A_174 = arith.constant 0 : i32
      %dma_start3A_175 = tpu.memref_slice %arg2[%dma_start3A_173, %dma_start3A_174] : memref<10000x128xf32, #tpu.memory_space<hbm>> -> memref<10000x128xf32, #tpu.memory_space<hbm>>
      tpu.enqueue_indirect_dma source(%dma_start3A_175 : memref<10000x128xf32, #tpu.memory_space<hbm>>) target(%dma_start3A_170 : memref<128x128xf32, #tpu.memory_space<vmem>>) offsets(%dma_start3A_172 : memref<128xi32, #tpu.memory_space<vmem>>) semaphore(%arg14 : memref<!tpu.dma_semaphore, #tpu.memory_space<semaphore_mem>>)
      %dma_start3A_176 = arith.constant 128 : i32
      %dma_start3A_177 = arith.constant 0 : i32
      %dma_start3A_178 = tpu.memref_slice %arg8[%dma_start3A_176, %dma_start3A_177] : memref<320x128xf32, #tpu.memory_space<vmem>> -> memref<128x128xf32, #tpu.memory_space<vmem>>
      %dma_start3A_179 = arith.constant 128 : i32
      %dma_start3A_180 = tpu.memref_slice %arg7[%dma_start3A_179] : memref<320xi32, #tpu.memory_space<vmem>> -> memref<128xi32, #tpu.memory_space<vmem>>
      %dma_start3A_181 = arith.constant 0 : i32
      %dma_start3A_182 = arith.constant 0 : i32
      %dma_start3A_183 = tpu.memref_slice %arg2[%dma_start3A_181, %dma_start3A_182] : memref<10000x128xf32, #tpu.memory_space<hbm>> -> memref<10000x128xf32, #tpu.memory_space<hbm>>
      tpu.enqueue_indirect_dma source(%dma_start3A_183 : memref<10000x128xf32, #tpu.memory_space<hbm>>) target(%dma_start3A_178 : memref<128x128xf32, #tpu.memory_space<vmem>>) offsets(%dma_start3A_180 : memref<128xi32, #tpu.memory_space<vmem>>) semaphore(%arg14 : memref<!tpu.dma_semaphore, #tpu.memory_space<semaphore_mem>>)
      %dma_start3A_184 = arith.constant 256 : i32
      %dma_start3A_185 = arith.constant 0 : i32
      %dma_start3A_186 = tpu.memref_slice %arg8[%dma_start3A_184, %dma_start3A_185] : memref<320x128xf32, #tpu.memory_space<vmem>> -> memref<64x128xf32, #tpu.memory_space<vmem>>
      %dma_start3A_187 = arith.constant 256 : i32
      %dma_start3A_188 = tpu.memref_slice %arg7[%dma_start3A_187] : memref<320xi32, #tpu.memory_space<vmem>> -> memref<64xi32, #tpu.memory_space<vmem>>
      %dma_start3A_189 = arith.constant 0 : i32
      %dma_start3A_190 = arith.constant 0 : i32
      %dma_start3A_191 = tpu.memref_slice %arg2[%dma_start3A_189, %dma_start3A_190] : memref<10000x128xf32, #tpu.memory_space<hbm>> -> memref<10000x128xf32, #tpu.memory_space<hbm>>
      tpu.enqueue_indirect_dma source(%dma_start3A_191 : memref<10000x128xf32, #tpu.memory_space<hbm>>) target(%dma_start3A_186 : memref<64x128xf32, #tpu.memory_space<vmem>>) offsets(%dma_start3A_188 : memref<64xi32, #tpu.memory_space<vmem>>) semaphore(%arg14 : memref<!tpu.dma_semaphore, #tpu.memory_space<semaphore_mem>>)
    } else {
    }
    %convert_element_type3A_6 = arith.extui %eq3A_1 : i1 to i32
    %cond3A_7 = arith.constant 0 : i32
    %cond3A_8 = arith.cmpi ne, %convert_element_type3A_6, %cond3A_7 : i32
    scf.if %cond3A_8 {
      "tpu.region"() ({
        %run_scoped3A_176 = tpu.sem_alloc : memref<!tpu.dma_semaphore, #tpu.memory_space<semaphore_mem>>
        %dma_start3A_177 = arith.constant 0 : i32
        %dma_start3A_178 = tpu.memref_slice %arg7[%dma_start3A_177] : memref<320xi32, #tpu.memory_space<vmem>> -> memref<80xi32, #tpu.memory_space<vmem>>
        %dma_start3A_179 = arith.constant 9920 : i32
        %dma_start3A_180 = tpu.memref_slice %arg3[%dma_start3A_179] : memref<10000xi32, #tpu.memory_space<hbm>> -> memref<80xi32, #tpu.memory_space<hbm>>
        %dma_start3A_181 = arith.constant 0 : i32
        %dma_start3A_182 = tpu.memref_slice %arg7[%dma_start3A_181] : memref<320xi32, #tpu.memory_space<vmem>> -> memref<80xi32, #tpu.memory_space<vmem>>
        %dma_start3A_183 = arith.constant 9920 : i32
        %dma_start3A_184 = tpu.memref_slice %arg3[%dma_start3A_183] : memref<10000xi32, #tpu.memory_space<hbm>> -> memref<80xi32, #tpu.memory_space<hbm>>
        tpu.enqueue_dma source(%dma_start3A_184 : memref<80xi32, #tpu.memory_space<hbm>>) target(%dma_start3A_182 : memref<80xi32, #tpu.memory_space<vmem>>) target_semaphore(%run_scoped3A_176 : memref<!tpu.dma_semaphore, #tpu.memory_space<semaphore_mem>>)
        %dma_wait3A_185 = arith.constant 0 : i32
        %dma_wait3A_186 = tpu.memref_slice %arg7[%dma_wait3A_185] : memref<320xi32, #tpu.memory_space<vmem>> -> memref<80xi32, #tpu.memory_space<vmem>>
        %dma_wait3A_187 = arith.constant 9920 : i32
        %dma_wait3A_188 = tpu.memref_slice %arg3[%dma_wait3A_187] : memref<10000xi32, #tpu.memory_space<hbm>> -> memref<80xi32, #tpu.memory_space<hbm>>
        %dma_wait3A_189 = arith.constant 0 : i32
        %dma_wait3A_190 = tpu.memref_slice %arg7[%dma_wait3A_189] : memref<320xi32, #tpu.memory_space<vmem>> -> memref<80xi32, #tpu.memory_space<vmem>>
        %dma_wait3A_191 = arith.constant 9920 : i32
        %dma_wait3A_192 = tpu.memref_slice %arg3[%dma_wait3A_191] : memref<10000xi32, #tpu.memory_space<hbm>> -> memref<80xi32, #tpu.memory_space<hbm>>
        tpu.wait_dma2 semaphore(%run_scoped3A_176 : memref<!tpu.dma_semaphore, #tpu.memory_space<semaphore_mem>>) src(%dma_wait3A_192 : memref<80xi32, #tpu.memory_space<hbm>>) dst(%dma_wait3A_190 : memref<80xi32, #tpu.memory_space<vmem>>)
        tpu.yield
      }) : () -> ()
      %dma_start3A_168 = arith.constant 0 : i32
      %dma_start3A_169 = arith.constant 0 : i32
      %dma_start3A_170 = tpu.memref_slice %arg8[%dma_start3A_168, %dma_start3A_169] : memref<320x128xf32, #tpu.memory_space<vmem>> -> memref<80x128xf32, #tpu.memory_space<vmem>>
      %dma_start3A_171 = arith.constant 0 : i32
      %dma_start3A_172 = tpu.memref_slice %arg7[%dma_start3A_171] : memref<320xi32, #tpu.memory_space<vmem>> -> memref<80xi32, #tpu.memory_space<vmem>>
      %dma_start3A_173 = arith.constant 0 : i32
      %dma_start3A_174 = arith.constant 0 : i32
      %dma_start3A_175 = tpu.memref_slice %arg2[%dma_start3A_173, %dma_start3A_174] : memref<10000x128xf32, #tpu.memory_space<hbm>> -> memref<10000x128xf32, #tpu.memory_space<hbm>>
      tpu.enqueue_indirect_dma source(%dma_start3A_175 : memref<10000x128xf32, #tpu.memory_space<hbm>>) target(%dma_start3A_170 : memref<80x128xf32, #tpu.memory_space<vmem>>) offsets(%dma_start3A_172 : memref<80xi32, #tpu.memory_space<vmem>>) semaphore(%arg14 : memref<!tpu.dma_semaphore, #tpu.memory_space<semaphore_mem>>)
    } else {
    }
    %mul3A_9 = arith.constant 10000 : i32
    %mul3A_10 = arith.muli %add3A, %mul3A_9 : i32
    %dma_start3A = tpu.memref_slice %arg4[%mul3A_10] : memref<640000xi32, #tpu.memory_space<hbm>> -> memref<10000xi32, #tpu.memory_space<hbm>>
    %dma_start3A_11 = tpu.memref_slice %arg4[%mul3A_10] : memref<640000xi32, #tpu.memory_space<hbm>> -> memref<10000xi32, #tpu.memory_space<hbm>>
    tpu.enqueue_dma source(%dma_start3A_11 : memref<10000xi32, #tpu.memory_space<hbm>>) target(%arg9 : memref<10000xi32, #tpu.memory_space<vmem>>) target_semaphore(%arg16 : memref<!tpu.dma_semaphore, #tpu.memory_space<semaphore_mem>>)
    %add3A_12 = arith.constant 320000 : i32
    %add3A_13 = arith.addi %add3A_12, %mul3A_10 : i32
    %dma_start3A_14 = tpu.memref_slice %arg4[%add3A_13] : memref<640000xi32, #tpu.memory_space<hbm>> -> memref<10000xi32, #tpu.memory_space<hbm>>
    %dma_start3A_15 = tpu.memref_slice %arg4[%add3A_13] : memref<640000xi32, #tpu.memory_space<hbm>> -> memref<10000xi32, #tpu.memory_space<hbm>>
    tpu.enqueue_dma source(%dma_start3A_15 : memref<10000xi32, #tpu.memory_space<hbm>>) target(%arg10 : memref<10000xi32, #tpu.memory_space<vmem>>) target_semaphore(%arg16 : memref<!tpu.dma_semaphore, #tpu.memory_space<semaphore_mem>>)
    %broadcast_in_dim3A = arith.constant 0 : i32
    %broadcast_in_dim3A_16 = vector.broadcast %broadcast_in_dim3A : i32 to vector<16xi32>
    %parallel_loop3A = arith.constant 0 : i32
    %parallel_loop3A_17 = arith.constant 256 : i32
    %parallel_loop3A_18 = arith.constant 1 : i32
    scf.for %parallel_loop3A_168 = %parallel_loop3A to %parallel_loop3A_17 step %parallel_loop3A_18  : i32 {
      %parallel_loop3A_169 = arith.index_cast %parallel_loop3A_168 : i32 to index
      %parallel_loop3A_170 = arith.constant 0 : index
      %parallel_loop3A_171 = tpu.vector_load %arg11[%parallel_loop3A_169, %parallel_loop3A_170] {strides = array<i32>} : memref<256x128xi32, #tpu.memory_space<vmem>>, vector<16xi32>,
      tpu.vector_store %arg11[%parallel_loop3A_169, %parallel_loop3A_170], %broadcast_in_dim3A_16 {strides = array<i32>} : memref<256x128xi32, #tpu.memory_space<vmem>>, vector<16xi32>,
      %parallel_loop3A_172 = arith.index_cast %parallel_loop3A_168 : i32 to index
      %parallel_loop3A_173 = arith.constant 16 : index
      %parallel_loop3A_174 = tpu.vector_load %arg11[%parallel_loop3A_172, %parallel_loop3A_173] {strides = array<i32>} : memref<256x128xi32, #tpu.memory_space<vmem>>, vector<16xi32>,
      tpu.vector_store %arg11[%parallel_loop3A_172, %parallel_loop3A_173], %broadcast_in_dim3A_16 {strides = array<i32>} : memref<256x128xi32, #tpu.memory_space<vmem>>, vector<16xi32>,
      %parallel_loop3A_175 = arith.index_cast %parallel_loop3A_168 : i32 to index
      %parallel_loop3A_176 = arith.constant 32 : index
      %parallel_loop3A_177 = tpu.vector_load %arg11[%parallel_loop3A_175, %parallel_loop3A_176] {strides = array<i32>} : memref<256x128xi32, #tpu.memory_space<vmem>>, vector<16xi32>,
      tpu.vector_store %arg11[%parallel_loop3A_175, %parallel_loop3A_176], %broadcast_in_dim3A_16 {strides = array<i32>} : memref<256x128xi32, #tpu.memory_space<vmem>>, vector<16xi32>,
      %parallel_loop3A_178 = arith.index_cast %parallel_loop3A_168 : i32 to index
      %parallel_loop3A_179 = arith.constant 48 : index
      %parallel_loop3A_180 = tpu.vector_load %arg11[%parallel_loop3A_178, %parallel_loop3A_179] {strides = array<i32>} : memref<256x128xi32, #tpu.memory_space<vmem>>, vector<16xi32>,
      tpu.vector_store %arg11[%parallel_loop3A_178, %parallel_loop3A_179], %broadcast_in_dim3A_16 {strides = array<i32>} : memref<256x128xi32, #tpu.memory_space<vmem>>, vector<16xi32>,
      %parallel_loop3A_181 = arith.index_cast %parallel_loop3A_168 : i32 to index
      %parallel_loop3A_182 = arith.constant 64 : index
      %parallel_loop3A_183 = tpu.vector_load %arg11[%parallel_loop3A_181, %parallel_loop3A_182] {strides = array<i32>} : memref<256x128xi32, #tpu.memory_space<vmem>>, vector<16xi32>,
      tpu.vector_store %arg11[%parallel_loop3A_181, %parallel_loop3A_182], %broadcast_in_dim3A_16 {strides = array<i32>} : memref<256x128xi32, #tpu.memory_space<vmem>>, vector<16xi32>,
      %parallel_loop3A_184 = arith.index_cast %parallel_loop3A_168 : i32 to index
      %parallel_loop3A_185 = arith.constant 80 : index
      %parallel_loop3A_186 = tpu.vector_load %arg11[%parallel_loop3A_184, %parallel_loop3A_185] {strides = array<i32>} : memref<256x128xi32, #tpu.memory_space<vmem>>, vector<16xi32>,
      tpu.vector_store %arg11[%parallel_loop3A_184, %parallel_loop3A_185], %broadcast_in_dim3A_16 {strides = array<i32>} : memref<256x128xi32, #tpu.memory_space<vmem>>, vector<16xi32>,
      %parallel_loop3A_187 = arith.index_cast %parallel_loop3A_168 : i32 to index
      %parallel_loop3A_188 = arith.constant 96 : index
      %parallel_loop3A_189 = tpu.vector_load %arg11[%parallel_loop3A_187, %parallel_loop3A_188] {strides = array<i32>} : memref<256x128xi32, #tpu.memory_space<vmem>>, vector<16xi32>,
      tpu.vector_store %arg11[%parallel_loop3A_187, %parallel_loop3A_188], %broadcast_in_dim3A_16 {strides = array<i32>} : memref<256x128xi32, #tpu.memory_space<vmem>>, vector<16xi32>,
      %parallel_loop3A_190 = arith.index_cast %parallel_loop3A_168 : i32 to index
      %parallel_loop3A_191 = arith.constant 112 : index
      %parallel_loop3A_192 = tpu.vector_load %arg11[%parallel_loop3A_190, %parallel_loop3A_191] {strides = array<i32>} : memref<256x128xi32, #tpu.memory_space<vmem>>, vector<16xi32>,
      tpu.vector_store %arg11[%parallel_loop3A_190, %parallel_loop3A_191], %broadcast_in_dim3A_16 {strides = array<i32>} : memref<256x128xi32, #tpu.memory_space<vmem>>, vector<16xi32>,
    } {sc.loop_unroll_factor = 2 : i64, sc.parallel_access}
    %mul3A_19 = arith.constant 16 : i32
    %mul3A_20 = arith.muli %arg1, %mul3A_19 : i32
    "tpu.region"() ({
      %run_scoped3A_168 = tpu.sem_alloc : memref<!tpu.dma_semaphore, #tpu.memory_space<semaphore_mem>>
      %dma_start3A_169 = arith.constant 0 : i32
      %dma_start3A_170 = tpu.memref_slice %arg11[%mul3A_20, %dma_start3A_169] : memref<256x128xi32, #tpu.memory_space<vmem>> -> memref<16x128xi32, #tpu.memory_space<vmem>>
      %dma_start3A_171 = arith.constant 0 : i32
      %dma_start3A_172 = tpu.memref_slice %arg13[%mul3A_20, %dma_start3A_171] : memref<256x128xi32, #tpu.memory_space<vmem_shared>> -> memref<16x128xi32, #tpu.memory_space<vmem_shared>>
      %dma_start3A_173 = arith.constant 0 : i32
      %dma_start3A_174 = tpu.memref_slice %arg13[%mul3A_20, %dma_start3A_173] : memref<256x128xi32, #tpu.memory_space<vmem_shared>> -> memref<16x128xi32, #tpu.memory_space<vmem_shared>>
      %dma_start3A_175 = arith.constant 0 : i32
      %dma_start3A_176 = tpu.memref_slice %arg11[%mul3A_20, %dma_start3A_175] : memref<256x128xi32, #tpu.memory_space<vmem>> -> memref<16x128xi32, #tpu.memory_space<vmem>>
      tpu.enqueue_dma source(%dma_start3A_176 : memref<16x128xi32, #tpu.memory_space<vmem>>) target(%dma_start3A_174 : memref<16x128xi32, #tpu.memory_space<vmem_shared>>) target_semaphore(%run_scoped3A_168 : memref<!tpu.dma_semaphore, #tpu.memory_space<semaphore_mem>>)
      %dma_wait3A_177 = arith.constant 0 : i32
      %dma_wait3A_178 = tpu.memref_slice %arg11[%mul3A_20, %dma_wait3A_177] : memref<256x128xi32, #tpu.memory_space<vmem>> -> memref<16x128xi32, #tpu.memory_space<vmem>>
      %dma_wait3A_179 = arith.constant 0 : i32
      %dma_wait3A_180 = tpu.memref_slice %arg13[%mul3A_20, %dma_wait3A_179] : memref<256x128xi32, #tpu.memory_space<vmem_shared>> -> memref<16x128xi32, #tpu.memory_space<vmem_shared>>
      %dma_wait3A_181 = arith.constant 0 : i32
      %dma_wait3A_182 = tpu.memref_slice %arg13[%mul3A_20, %dma_wait3A_181] : memref<256x128xi32, #tpu.memory_space<vmem_shared>> -> memref<16x128xi32, #tpu.memory_space<vmem_shared>>
      %dma_wait3A_183 = arith.constant 0 : i32
      %dma_wait3A_184 = tpu.memref_slice %arg11[%mul3A_20, %dma_wait3A_183] : memref<256x128xi32, #tpu.memory_space<vmem>> -> memref<16x128xi32, #tpu.memory_space<vmem>>
      tpu.wait_dma2 semaphore(%run_scoped3A_168 : memref<!tpu.dma_semaphore, #tpu.memory_space<semaphore_mem>>) src(%dma_wait3A_184 : memref<16x128xi32, #tpu.memory_space<vmem>>) dst(%dma_wait3A_182 : memref<16x128xi32, #tpu.memory_space<vmem_shared>>)
      tpu.yield
    }) : () -> ()
    %iota3A = tpu.iota {dimensions = array<i32: 0>} : vector<16xi32>
    %add3A_21 = arith.constant 0 : i32
    %add3A_22 = vector.broadcast %add3A_21 : i32 to vector<16xi32>
    %add3A_23 = arith.addi %iota3A, %add3A_22 : vector<16xi32>
    %swap3A = arith.constant 0 : i32
    %swap3A_24 = arith.index_cast %swap3A : i32 to index
    %swap3A_25 = arith.constant 0 : index
    %swap3A_26 = tpu.vector_load %arg12[%swap3A_24, %swap3A_25] {strides = array<i32>} : memref<2x128xi32, #tpu.memory_space<vmem>>, vector<16xi32>,
    tpu.vector_store %arg12[%swap3A_24, %swap3A_25], %add3A_23 {strides = array<i32>} : memref<2x128xi32, #tpu.memory_space<vmem>>, vector<16xi32>,
    %add3A_27 = arith.constant 16 : i32
    %add3A_28 = vector.broadcast %add3A_27 : i32 to vector<16xi32>
    %add3A_29 = arith.addi %iota3A, %add3A_28 : vector<16xi32>
    %swap3A_30 = arith.constant 0 : i32
    %swap3A_31 = arith.index_cast %swap3A_30 : i32 to index
    %swap3A_32 = arith.constant 16 : index
    %swap3A_33 = tpu.vector_load %arg12[%swap3A_31, %swap3A_32] {strides = array<i32>} : memref<2x128xi32, #tpu.memory_space<vmem>>, vector<16xi32>,
    tpu.vector_store %arg12[%swap3A_31, %swap3A_32], %add3A_29 {strides = array<i32>} : memref<2x128xi32, #tpu.memory_space<vmem>>, vector<16xi32>,
    %add3A_34 = arith.constant 32 : i32
    %add3A_35 = vector.broadcast %add3A_34 : i32 to vector<16xi32>
    %add3A_36 = arith.addi %iota3A, %add3A_35 : vector<16xi32>
    %swap3A_37 = arith.constant 0 : i32
    %swap3A_38 = arith.index_cast %swap3A_37 : i32 to index
    %swap3A_39 = arith.constant 32 : index
    %swap3A_40 = tpu.vector_load %arg12[%swap3A_38, %swap3A_39] {strides = array<i32>} : memref<2x128xi32, #tpu.memory_space<vmem>>, vector<16xi32>,
    tpu.vector_store %arg12[%swap3A_38, %swap3A_39], %add3A_36 {strides = array<i32>} : memref<2x128xi32, #tpu.memory_space<vmem>>, vector<16xi32>,
    %add3A_41 = arith.constant 48 : i32
    %add3A_42 = vector.broadcast %add3A_41 : i32 to vector<16xi32>
    %add3A_43 = arith.addi %iota3A, %add3A_42 : vector<16xi32>
    %swap3A_44 = arith.constant 0 : i32
    %swap3A_45 = arith.index_cast %swap3A_44 : i32 to index
    %swap3A_46 = arith.constant 48 : index
    %swap3A_47 = tpu.vector_load %arg12[%swap3A_45, %swap3A_46] {strides = array<i32>} : memref<2x128xi32, #tpu.memory_space<vmem>>, vector<16xi32>,
    tpu.vector_store %arg12[%swap3A_45, %swap3A_46], %add3A_43 {strides = array<i32>} : memref<2x128xi32, #tpu.memory_space<vmem>>, vector<16xi32>,
    %add3A_48 = arith.constant 64 : i32
    %add3A_49 = vector.broadcast %add3A_48 : i32 to vector<16xi32>
    %add3A_50 = arith.addi %iota3A, %add3A_49 : vector<16xi32>
    %swap3A_51 = arith.constant 0 : i32
    %swap3A_52 = arith.index_cast %swap3A_51 : i32 to index
    %swap3A_53 = arith.constant 64 : index
    %swap3A_54 = tpu.vector_load %arg12[%swap3A_52, %swap3A_53] {strides = array<i32>} : memref<2x128xi32, #tpu.memory_space<vmem>>, vector<16xi32>,
    tpu.vector_store %arg12[%swap3A_52, %swap3A_53], %add3A_50 {strides = array<i32>} : memref<2x128xi32, #tpu.memory_space<vmem>>, vector<16xi32>,
    %add3A_55 = arith.constant 80 : i32
    %add3A_56 = vector.broadcast %add3A_55 : i32 to vector<16xi32>
    %add3A_57 = arith.addi %iota3A, %add3A_56 : vector<16xi32>
    %swap3A_58 = arith.constant 0 : i32
    %swap3A_59 = arith.index_cast %swap3A_58 : i32 to index
    %swap3A_60 = arith.constant 80 : index
    %swap3A_61 = tpu.vector_load %arg12[%swap3A_59, %swap3A_60] {strides = array<i32>} : memref<2x128xi32, #tpu.memory_space<vmem>>, vector<16xi32>,
    tpu.vector_store %arg12[%swap3A_59, %swap3A_60], %add3A_57 {strides = array<i32>} : memref<2x128xi32, #tpu.memory_space<vmem>>, vector<16xi32>,
    %add3A_62 = arith.constant 96 : i32
    %add3A_63 = vector.broadcast %add3A_62 : i32 to vector<16xi32>
    %add3A_64 = arith.addi %iota3A, %add3A_63 : vector<16xi32>
    %swap3A_65 = arith.constant 0 : i32
    %swap3A_66 = arith.index_cast %swap3A_65 : i32 to index
    %swap3A_67 = arith.constant 96 : index
    %swap3A_68 = tpu.vector_load %arg12[%swap3A_66, %swap3A_67] {strides = array<i32>} : memref<2x128xi32, #tpu.memory_space<vmem>>, vector<16xi32>,
    tpu.vector_store %arg12[%swap3A_66, %swap3A_67], %add3A_64 {strides = array<i32>} : memref<2x128xi32, #tpu.memory_space<vmem>>, vector<16xi32>,
    %add3A_69 = arith.constant 112 : i32
    %add3A_70 = vector.broadcast %add3A_69 : i32 to vector<16xi32>
    %add3A_71 = arith.addi %iota3A, %add3A_70 : vector<16xi32>
    %swap3A_72 = arith.constant 0 : i32
    %swap3A_73 = arith.index_cast %swap3A_72 : i32 to index
    %swap3A_74 = arith.constant 112 : index
    %swap3A_75 = tpu.vector_load %arg12[%swap3A_73, %swap3A_74] {strides = array<i32>} : memref<2x128xi32, #tpu.memory_space<vmem>>, vector<16xi32>,
    tpu.vector_store %arg12[%swap3A_73, %swap3A_74], %add3A_71 {strides = array<i32>} : memref<2x128xi32, #tpu.memory_space<vmem>>, vector<16xi32>,
    %add3A_76 = arith.constant 128 : i32
    %add3A_77 = vector.broadcast %add3A_76 : i32 to vector<16xi32>
    %add3A_78 = arith.addi %iota3A, %add3A_77 : vector<16xi32>
    %swap3A_79 = arith.constant 1 : i32
    %swap3A_80 = arith.index_cast %swap3A_79 : i32 to index
    %swap3A_81 = arith.constant 0 : index
    %swap3A_82 = tpu.vector_load %arg12[%swap3A_80, %swap3A_81] {strides = array<i32>} : memref<2x128xi32, #tpu.memory_space<vmem>>, vector<16xi32>,
    tpu.vector_store %arg12[%swap3A_80, %swap3A_81], %add3A_78 {strides = array<i32>} : memref<2x128xi32, #tpu.memory_space<vmem>>, vector<16xi32>,
    %add3A_83 = arith.constant 144 : i32
    %add3A_84 = vector.broadcast %add3A_83 : i32 to vector<16xi32>
    %add3A_85 = arith.addi %iota3A, %add3A_84 : vector<16xi32>
    %swap3A_86 = arith.constant 1 : i32
    %swap3A_87 = arith.index_cast %swap3A_86 : i32 to index
    %swap3A_88 = arith.constant 16 : index
    %swap3A_89 = tpu.vector_load %arg12[%swap3A_87, %swap3A_88] {strides = array<i32>} : memref<2x128xi32, #tpu.memory_space<vmem>>, vector<16xi32>,
    tpu.vector_store %arg12[%swap3A_87, %swap3A_88], %add3A_85 {strides = array<i32>} : memref<2x128xi32, #tpu.memory_space<vmem>>, vector<16xi32>,
    %add3A_90 = arith.constant 160 : i32
    %add3A_91 = vector.broadcast %add3A_90 : i32 to vector<16xi32>
    %add3A_92 = arith.addi %iota3A, %add3A_91 : vector<16xi32>
    %swap3A_93 = arith.constant 1 : i32
    %swap3A_94 = arith.index_cast %swap3A_93 : i32 to index
    %swap3A_95 = arith.constant 32 : index
    %swap3A_96 = tpu.vector_load %arg12[%swap3A_94, %swap3A_95] {strides = array<i32>} : memref<2x128xi32, #tpu.memory_space<vmem>>, vector<16xi32>,
    tpu.vector_store %arg12[%swap3A_94, %swap3A_95], %add3A_92 {strides = array<i32>} : memref<2x128xi32, #tpu.memory_space<vmem>>, vector<16xi32>,
    %add3A_97 = arith.constant 176 : i32
    %add3A_98 = vector.broadcast %add3A_97 : i32 to vector<16xi32>
    %add3A_99 = arith.addi %iota3A, %add3A_98 : vector<16xi32>
    %swap3A_100 = arith.constant 1 : i32
    %swap3A_101 = arith.index_cast %swap3A_100 : i32 to index
    %swap3A_102 = arith.constant 48 : index
    %swap3A_103 = tpu.vector_load %arg12[%swap3A_101, %swap3A_102] {strides = array<i32>} : memref<2x128xi32, #tpu.memory_space<vmem>>, vector<16xi32>,
    tpu.vector_store %arg12[%swap3A_101, %swap3A_102], %add3A_99 {strides = array<i32>} : memref<2x128xi32, #tpu.memory_space<vmem>>, vector<16xi32>,
    %add3A_104 = arith.constant 192 : i32
    %add3A_105 = vector.broadcast %add3A_104 : i32 to vector<16xi32>
    %add3A_106 = arith.addi %iota3A, %add3A_105 : vector<16xi32>
    %swap3A_107 = arith.constant 1 : i32
    %swap3A_108 = arith.index_cast %swap3A_107 : i32 to index
    %swap3A_109 = arith.constant 64 : index
    %swap3A_110 = tpu.vector_load %arg12[%swap3A_108, %swap3A_109] {strides = array<i32>} : memref<2x128xi32, #tpu.memory_space<vmem>>, vector<16xi32>,
    tpu.vector_store %arg12[%swap3A_108, %swap3A_109], %add3A_106 {strides = array<i32>} : memref<2x128xi32, #tpu.memory_space<vmem>>, vector<16xi32>,
    %add3A_111 = arith.constant 208 : i32
    %add3A_112 = vector.broadcast %add3A_111 : i32 to vector<16xi32>
    %add3A_113 = arith.addi %iota3A, %add3A_112 : vector<16xi32>
    %swap3A_114 = arith.constant 1 : i32
    %swap3A_115 = arith.index_cast %swap3A_114 : i32 to index
    %swap3A_116 = arith.constant 80 : index
    %swap3A_117 = tpu.vector_load %arg12[%swap3A_115, %swap3A_116] {strides = array<i32>} : memref<2x128xi32, #tpu.memory_space<vmem>>, vector<16xi32>,
    tpu.vector_store %arg12[%swap3A_115, %swap3A_116], %add3A_113 {strides = array<i32>} : memref<2x128xi32, #tpu.memory_space<vmem>>, vector<16xi32>,
    %add3A_118 = arith.constant 224 : i32
    %add3A_119 = vector.broadcast %add3A_118 : i32 to vector<16xi32>
    %add3A_120 = arith.addi %iota3A, %add3A_119 : vector<16xi32>
    %swap3A_121 = arith.constant 1 : i32
    %swap3A_122 = arith.index_cast %swap3A_121 : i32 to index
    %swap3A_123 = arith.constant 96 : index
    %swap3A_124 = tpu.vector_load %arg12[%swap3A_122, %swap3A_123] {strides = array<i32>} : memref<2x128xi32, #tpu.memory_space<vmem>>, vector<16xi32>,
    tpu.vector_store %arg12[%swap3A_122, %swap3A_123], %add3A_120 {strides = array<i32>} : memref<2x128xi32, #tpu.memory_space<vmem>>, vector<16xi32>,
    %add3A_125 = arith.constant 240 : i32
    %add3A_126 = vector.broadcast %add3A_125 : i32 to vector<16xi32>
    %add3A_127 = arith.addi %iota3A, %add3A_126 : vector<16xi32>
    %swap3A_128 = arith.constant 1 : i32
    %swap3A_129 = arith.index_cast %swap3A_128 : i32 to index
    %swap3A_130 = arith.constant 112 : index
    %swap3A_131 = tpu.vector_load %arg12[%swap3A_129, %swap3A_130] {strides = array<i32>} : memref<2x128xi32, #tpu.memory_space<vmem>>, vector<16xi32>,
    tpu.vector_store %arg12[%swap3A_129, %swap3A_130], %add3A_127 {strides = array<i32>} : memref<2x128xi32, #tpu.memory_space<vmem>>, vector<16xi32>,
    %dma_wait3A = tpu.memref_slice %arg4[%mul3A_10] : memref<640000xi32, #tpu.memory_space<hbm>> -> memref<10000xi32, #tpu.memory_space<hbm>>
    %dma_wait3A_132 = tpu.memref_slice %arg4[%mul3A_10] : memref<640000xi32, #tpu.memory_space<hbm>> -> memref<10000xi32, #tpu.memory_space<hbm>>
    tpu.wait_dma2 semaphore(%arg16 : memref<!tpu.dma_semaphore, #tpu.memory_space<semaphore_mem>>) src(%dma_wait3A_132 : memref<10000xi32, #tpu.memory_space<hbm>>) dst(%arg9 : memref<10000xi32, #tpu.memory_space<vmem>>)
    %add3A_133 = arith.constant 320000 : i32
    %add3A_134 = arith.addi %add3A_133, %mul3A_10 : i32
    %dma_wait3A_135 = tpu.memref_slice %arg4[%add3A_134] : memref<640000xi32, #tpu.memory_space<hbm>> -> memref<10000xi32, #tpu.memory_space<hbm>>
    %dma_wait3A_136 = tpu.memref_slice %arg4[%add3A_134] : memref<640000xi32, #tpu.memory_space<hbm>> -> memref<10000xi32, #tpu.memory_space<hbm>>
    tpu.wait_dma2 semaphore(%arg16 : memref<!tpu.dma_semaphore, #tpu.memory_space<semaphore_mem>>) src(%dma_wait3A_136 : memref<10000xi32, #tpu.memory_space<hbm>>) dst(%arg10 : memref<10000xi32, #tpu.memory_space<vmem>>)
    %parallel_loop3A_137 = arith.constant 0 : i32
    %parallel_loop3A_138 = arith.constant 10000 : i32
    %parallel_loop3A_139 = arith.constant 16 : i32
    scf.for %parallel_loop3A_168 = %parallel_loop3A_137 to %parallel_loop3A_138 step %parallel_loop3A_139  : i32 {
      %parallel_loop3A_169 = arith.index_cast %parallel_loop3A_168 : i32 to index
      %parallel_loop3A_170 = tpu.vector_load %arg9[%parallel_loop3A_169] {strides = array<i32>} : memref<10000xi32, #tpu.memory_space<vmem>>, vector<16xi32>,
      %parallel_loop3A_171 = arith.index_cast %parallel_loop3A_168 : i32 to index
      %parallel_loop3A_172 = tpu.vector_load %arg10[%parallel_loop3A_171] {strides = array<i32>} : memref<10000xi32, #tpu.memory_space<vmem>>, vector<16xi32>,
      %parallel_loop3A_173 = arith.subi %parallel_loop3A_172, %parallel_loop3A_170 : vector<16xi32>
      %parallel_loop3A_174 = arith.constant 1 : i32
      %parallel_loop3A_175 = vector.broadcast %parallel_loop3A_174 : i32 to vector<16xi32>
      %parallel_loop3A_176 = arith.addi %parallel_loop3A_173, %parallel_loop3A_175 : vector<16xi32>
      %parallel_loop3A_177 = arith.constant 10000 : i32
      %parallel_loop3A_178 = vector.broadcast %parallel_loop3A_177 : i32 to vector<16xi32>
      %parallel_loop3A_179 = arith.muli %parallel_loop3A_176, %parallel_loop3A_178 : vector<16xi32>
      %parallel_loop3A_180 = arith.addi %parallel_loop3A_179, %parallel_loop3A_170 : vector<16xi32>
      %parallel_loop3A_181 = arith.constant 7 : i32
      %parallel_loop3A_182 = vector.broadcast %parallel_loop3A_181 : i32 to vector<16xi32>
      %parallel_loop3A_183 = arith.shrsi %parallel_loop3A_180, %parallel_loop3A_182 : vector<16xi32>
      %parallel_loop3A_184 = arith.constant 127 : i32
      %parallel_loop3A_185 = vector.broadcast %parallel_loop3A_184 : i32 to vector<16xi32>
      %parallel_loop3A_186 = arith.andi %parallel_loop3A_180, %parallel_loop3A_185 : vector<16xi32>
      %parallel_loop3A_187 = arith.constant true
      %parallel_loop3A_188 = vector.broadcast %parallel_loop3A_187 : i1 to vector<16xi1>
      %parallel_loop3A_189, %parallel_loop3A_190 = tpu.scan_count mask(%parallel_loop3A_188 : vector<16xi1>) value(%parallel_loop3A_180 : vector<16xi32>) : vector<16xi1>, vector<16xi32>
      tpu.vector_store_idx %arg11[%parallel_loop3A_183, %parallel_loop3A_186], %parallel_loop3A_190 masked %parallel_loop3A_189 {add = true} : memref<256x128xi32, #tpu.memory_space<vmem>>[vector<16xi32>, vector<16xi32>], vector<16xi32>, vector<16xi1>
    } {sc.loop_unroll_factor = 4 : i64, sc.parallel_access}
    %barrier3A = arith.constant 0 : index
    tpu.barrier barrier_id(%barrier3A)
    %run_scoped3A = arith.constant 0 : i32
    "tpu.region"() ({
      %run_scoped3A_168 = tpu.sem_alloc : memref<!tpu.dma_semaphore, #tpu.memory_space<semaphore_mem>>
      %dma_start3A_169 = arith.constant 0 : i32
      %dma_start3A_170 = arith.constant 0 : i32
      %dma_start3A_171 = tpu.memref_slice %arg11[%dma_start3A_169, %dma_start3A_170] : memref<256x128xi32, #tpu.memory_space<vmem>> -> memref<128x128xi32, #tpu.memory_space<vmem>>
      %dma_start3A_172 = arith.constant 0 : i32
      %dma_start3A_173 = tpu.memref_slice %arg12[%run_scoped3A, %dma_start3A_172] : memref<2x128xi32, #tpu.memory_space<vmem>> -> memref<1x128xi32, #tpu.memory_space<vmem>>
      %dma_start3A_174 = tpu.memref_squeeze %dma_start3A_173 : memref<1x128xi32, #tpu.memory_space<vmem>> -> memref<128xi32, #tpu.memory_space<vmem>>
      %dma_start3A_175 = arith.constant 0 : i32
      %dma_start3A_176 = arith.constant 0 : i32
      %dma_start3A_177 = tpu.memref_slice %arg13[%dma_start3A_175, %dma_start3A_176] : memref<256x128xi32, #tpu.memory_space<vmem_shared>> -> memref<256x128xi32, #tpu.memory_space<vmem_shared>>
      tpu.enqueue_indirect_dma source(%dma_start3A_171 : memref<128x128xi32, #tpu.memory_space<vmem>>) target(%dma_start3A_177 : memref<256x128xi32, #tpu.memory_space<vmem_shared>>) offsets(%dma_start3A_174 : memref<128xi32, #tpu.memory_space<vmem>>) semaphore(%run_scoped3A_168 : memref<!tpu.dma_semaphore, #tpu.memory_space<semaphore_mem>>) {add = true}
      %dma_wait3A_178 = arith.constant 0 : i32
      %dma_wait3A_179 = arith.constant 0 : i32
      %dma_wait3A_180 = tpu.memref_slice %arg11[%dma_wait3A_178, %dma_wait3A_179] : memref<256x128xi32, #tpu.memory_space<vmem>> -> memref<128x128xi32, #tpu.memory_space<vmem>>
      %dma_wait3A_181 = arith.constant 0 : i32
      %dma_wait3A_182 = tpu.memref_slice %arg12[%run_scoped3A, %dma_wait3A_181] : memref<2x128xi32, #tpu.memory_space<vmem>> -> memref<1x128xi32, #tpu.memory_space<vmem>>
      %dma_wait3A_183 = tpu.memref_squeeze %dma_wait3A_182 : memref<1x128xi32, #tpu.memory_space<vmem>> -> memref<128xi32, #tpu.memory_space<vmem>>
      %dma_wait3A_184 = arith.constant 0 : i32
      %dma_wait3A_185 = arith.constant 0 : i32
      %dma_wait3A_186 = tpu.memref_slice %arg13[%dma_wait3A_184, %dma_wait3A_185] : memref<256x128xi32, #tpu.memory_space<vmem_shared>> -> memref<256x128xi32, #tpu.memory_space<vmem_shared>>
      tpu.wait_indirect_dma semaphore(%run_scoped3A_168 : memref<!tpu.dma_semaphore, #tpu.memory_space<semaphore_mem>>) src(%dma_wait3A_180 : memref<128x128xi32, #tpu.memory_space<vmem>>) dst(%dma_wait3A_186 : memref<256x128xi32, #tpu.memory_space<vmem_shared>>)
      tpu.yield
    }) : () -> ()
    %run_scoped3A_140 = arith.constant 1 : i32
    "tpu.region"() ({
      %run_scoped3A_168 = tpu.sem_alloc : memref<!tpu.dma_semaphore, #tpu.memory_space<semaphore_mem>>
      %dma_start3A_169 = arith.constant 128 : i32
      %dma_start3A_170 = arith.constant 0 : i32
      %dma_start3A_171 = tpu.memref_slice %arg11[%dma_start3A_169, %dma_start3A_170] : memref<256x128xi32, #tpu.memory_space<vmem>> -> memref<128x128xi32, #tpu.memory_space<vmem>>
      %dma_start3A_172 = arith.constant 0 : i32
      %dma_start3A_173 = tpu.memref_slice %arg12[%run_scoped3A_140, %dma_start3A_172] : memref<2x128xi32, #tpu.memory_space<vmem>> -> memref<1x128xi32, #tpu.memory_space<vmem>>
      %dma_start3A_174 = tpu.memref_squeeze %dma_start3A_173 : memref<1x128xi32, #tpu.memory_space<vmem>> -> memref<128xi32, #tpu.memory_space<vmem>>
      %dma_start3A_175 = arith.constant 0 : i32
      %dma_start3A_176 = arith.constant 0 : i32
      %dma_start3A_177 = tpu.memref_slice %arg13[%dma_start3A_175, %dma_start3A_176] : memref<256x128xi32, #tpu.memory_space<vmem_shared>> -> memref<256x128xi32, #tpu.memory_space<vmem_shared>>
      tpu.enqueue_indirect_dma source(%dma_start3A_171 : memref<128x128xi32, #tpu.memory_space<vmem>>) target(%dma_start3A_177 : memref<256x128xi32, #tpu.memory_space<vmem_shared>>) offsets(%dma_start3A_174 : memref<128xi32, #tpu.memory_space<vmem>>) semaphore(%run_scoped3A_168 : memref<!tpu.dma_semaphore, #tpu.memory_space<semaphore_mem>>) {add = true}
      %dma_wait3A_178 = arith.constant 128 : i32
      %dma_wait3A_179 = arith.constant 0 : i32
      %dma_wait3A_180 = tpu.memref_slice %arg11[%dma_wait3A_178, %dma_wait3A_179] : memref<256x128xi32, #tpu.memory_space<vmem>> -> memref<128x128xi32, #tpu.memory_space<vmem>>
      %dma_wait3A_181 = arith.constant 0 : i32
      %dma_wait3A_182 = tpu.memref_slice %arg12[%run_scoped3A_140, %dma_wait3A_181] : memref<2x128xi32, #tpu.memory_space<vmem>> -> memref<1x128xi32, #tpu.memory_space<vmem>>
      %dma_wait3A_183 = tpu.memref_squeeze %dma_wait3A_182 : memref<1x128xi32, #tpu.memory_space<vmem>> -> memref<128xi32, #tpu.memory_space<vmem>>
      %dma_wait3A_184 = arith.constant 0 : i32
      %dma_wait3A_185 = arith.constant 0 : i32
      %dma_wait3A_186 = tpu.memref_slice %arg13[%dma_wait3A_184, %dma_wait3A_185] : memref<256x128xi32, #tpu.memory_space<vmem_shared>> -> memref<256x128xi32, #tpu.memory_space<vmem_shared>>
      tpu.wait_indirect_dma semaphore(%run_scoped3A_168 : memref<!tpu.dma_semaphore, #tpu.memory_space<semaphore_mem>>) src(%dma_wait3A_180 : memref<128x128xi32, #tpu.memory_space<vmem>>) dst(%dma_wait3A_186 : memref<256x128xi32, #tpu.memory_space<vmem_shared>>)
      tpu.yield
    }) : () -> ()
    %barrier3A_141 = arith.constant 0 : index
    tpu.barrier barrier_id(%barrier3A_141)
    %mul3A_142 = arith.constant 256 : i32
    %mul3A_143 = arith.muli %arg0, %mul3A_142 : i32
    %mul3A_144 = arith.constant 16 : i32
    %mul3A_145 = arith.muli %arg1, %mul3A_144 : i32
    %add3A_146 = arith.addi %mul3A_143, %mul3A_145 : i32
    %dma_start3A_147 = arith.constant 0 : i32
    %dma_start3A_148 = tpu.memref_slice %arg5[%add3A_146, %dma_start3A_147] : memref<512x128xi32, #tpu.memory_space<hbm>> -> memref<16x128xi32, #tpu.memory_space<hbm>>
    %dma_start3A_149 = arith.constant 0 : i32
    %dma_start3A_150 = tpu.memref_slice %arg13[%mul3A_20, %dma_start3A_149] : memref<256x128xi32, #tpu.memory_space<vmem_shared>> -> memref<16x128xi32, #tpu.memory_space<vmem_shared>>
    tpu.enqueue_dma source(%dma_start3A_150 : memref<16x128xi32, #tpu.memory_space<vmem_shared>>) target(%dma_start3A_148 : memref<16x128xi32, #tpu.memory_space<hbm>>) target_semaphore(%arg15 : memref<!tpu.dma_semaphore, #tpu.memory_space<semaphore_mem>>)
    %not3A_151 = arith.constant true
    %not3A_152 = arith.xori %eq3A_1, %not3A_151 : i1
    %convert_element_type3A_153 = arith.extui %not3A_152 : i1 to i32
    %cond3A_154 = arith.constant 0 : i32
    %cond3A_155 = arith.cmpi ne, %convert_element_type3A_153, %cond3A_154 : i32
    scf.if %cond3A_155 {
      %dma_wait3A_168 = arith.constant 0 : i32
      %dma_wait3A_169 = arith.constant 0 : i32
      %dma_wait3A_170 = tpu.memref_slice %arg8[%dma_wait3A_168, %dma_wait3A_169] : memref<320x128xf32, #tpu.memory_space<vmem>> -> memref<128x128xf32, #tpu.memory_space<vmem>>
      %dma_wait3A_171 = arith.constant 0 : i32
      %dma_wait3A_172 = tpu.memref_slice %arg7[%dma_wait3A_171] : memref<320xi32, #tpu.memory_space<vmem>> -> memref<128xi32, #tpu.memory_space<vmem>>
      %dma_wait3A_173 = arith.constant 0 : i32
      %dma_wait3A_174 = arith.constant 0 : i32
      %dma_wait3A_175 = tpu.memref_slice %arg2[%dma_wait3A_173, %dma_wait3A_174] : memref<10000x128xf32, #tpu.memory_space<hbm>> -> memref<10000x128xf32, #tpu.memory_space<hbm>>
      tpu.wait_indirect_dma semaphore(%arg14 : memref<!tpu.dma_semaphore, #tpu.memory_space<semaphore_mem>>) src(%dma_wait3A_175 : memref<10000x128xf32, #tpu.memory_space<hbm>>) dst(%dma_wait3A_170 : memref<128x128xf32, #tpu.memory_space<vmem>>)
      %dma_wait3A_176 = arith.constant 128 : i32
      %dma_wait3A_177 = arith.constant 0 : i32
      %dma_wait3A_178 = tpu.memref_slice %arg8[%dma_wait3A_176, %dma_wait3A_177] : memref<320x128xf32, #tpu.memory_space<vmem>> -> memref<128x128xf32, #tpu.memory_space<vmem>>
      %dma_wait3A_179 = arith.constant 128 : i32
      %dma_wait3A_180 = tpu.memref_slice %arg7[%dma_wait3A_179] : memref<320xi32, #tpu.memory_space<vmem>> -> memref<128xi32, #tpu.memory_space<vmem>>
      %dma_wait3A_181 = arith.constant 0 : i32
      %dma_wait3A_182 = arith.constant 0 : i32
      %dma_wait3A_183 = tpu.memref_slice %arg2[%dma_wait3A_181, %dma_wait3A_182] : memref<10000x128xf32, #tpu.memory_space<hbm>> -> memref<10000x128xf32, #tpu.memory_space<hbm>>
      tpu.wait_indirect_dma semaphore(%arg14 : memref<!tpu.dma_semaphore, #tpu.memory_space<semaphore_mem>>) src(%dma_wait3A_183 : memref<10000x128xf32, #tpu.memory_space<hbm>>) dst(%dma_wait3A_178 : memref<128x128xf32, #tpu.memory_space<vmem>>)
      %dma_wait3A_184 = arith.constant 256 : i32
      %dma_wait3A_185 = arith.constant 0 : i32
      %dma_wait3A_186 = tpu.memref_slice %arg8[%dma_wait3A_184, %dma_wait3A_185] : memref<320x128xf32, #tpu.memory_space<vmem>> -> memref<64x128xf32, #tpu.memory_space<vmem>>
      %dma_wait3A_187 = arith.constant 256 : i32
      %dma_wait3A_188 = tpu.memref_slice %arg7[%dma_wait3A_187] : memref<320xi32, #tpu.memory_space<vmem>> -> memref<64xi32, #tpu.memory_space<vmem>>
      %dma_wait3A_189 = arith.constant 0 : i32
      %dma_wait3A_190 = arith.constant 0 : i32
      %dma_wait3A_191 = tpu.memref_slice %arg2[%dma_wait3A_189, %dma_wait3A_190] : memref<10000x128xf32, #tpu.memory_space<hbm>> -> memref<10000x128xf32, #tpu.memory_space<hbm>>
      tpu.wait_indirect_dma semaphore(%arg14 : memref<!tpu.dma_semaphore, #tpu.memory_space<semaphore_mem>>) src(%dma_wait3A_191 : memref<10000x128xf32, #tpu.memory_space<hbm>>) dst(%dma_wait3A_186 : memref<64x128xf32, #tpu.memory_space<vmem>>)
      "tpu.region"() ({
        %run_scoped3A_192 = tpu.sem_alloc : memref<!tpu.dma_semaphore, #tpu.memory_space<semaphore_mem>>
        %dma_start3A_193 = arith.constant 0 : i32
        %dma_start3A_194 = arith.constant 0 : i32
        %dma_start3A_195 = tpu.memref_slice %arg8[%dma_start3A_193, %dma_start3A_194] : memref<320x128xf32, #tpu.memory_space<vmem>> -> memref<320x128xf32, #tpu.memory_space<vmem>>
        %dma_start3A_196 = arith.constant 0 : i32
        %dma_start3A_197 = tpu.memref_slice %arg6[%mul3A_3, %dma_start3A_196] : memref<10000x128xf32, #tpu.memory_space<hbm>> -> memref<320x128xf32, #tpu.memory_space<hbm>>
        %dma_start3A_198 = arith.constant 0 : i32
        %dma_start3A_199 = tpu.memref_slice %arg6[%mul3A_3, %dma_start3A_198] : memref<10000x128xf32, #tpu.memory_space<hbm>> -> memref<320x128xf32, #tpu.memory_space<hbm>>
        %dma_start3A_200 = arith.constant 0 : i32
        %dma_start3A_201 = arith.constant 0 : i32
        %dma_start3A_202 = tpu.memref_slice %arg8[%dma_start3A_200, %dma_start3A_201] : memref<320x128xf32, #tpu.memory_space<vmem>> -> memref<320x128xf32, #tpu.memory_space<vmem>>
        tpu.enqueue_dma source(%dma_start3A_202 : memref<320x128xf32, #tpu.memory_space<vmem>>) target(%dma_start3A_199 : memref<320x128xf32, #tpu.memory_space<hbm>>) target_semaphore(%run_scoped3A_192 : memref<!tpu.dma_semaphore, #tpu.memory_space<semaphore_mem>>)
        %dma_wait3A_203 = arith.constant 0 : i32
        %dma_wait3A_204 = arith.constant 0 : i32
        %dma_wait3A_205 = tpu.memref_slice %arg8[%dma_wait3A_203, %dma_wait3A_204] : memref<320x128xf32, #tpu.memory_space<vmem>> -> memref<320x128xf32, #tpu.memory_space<vmem>>
        %dma_wait3A_206 = arith.constant 0 : i32
        %dma_wait3A_207 = tpu.memref_slice %arg6[%mul3A_3, %dma_wait3A_206] : memref<10000x128xf32, #tpu.memory_space<hbm>> -> memref<320x128xf32, #tpu.memory_space<hbm>>
        %dma_wait3A_208 = arith.constant 0 : i32
        %dma_wait3A_209 = tpu.memref_slice %arg6[%mul3A_3, %dma_wait3A_208] : memref<10000x128xf32, #tpu.memory_space<hbm>> -> memref<320x128xf32, #tpu.memory_space<hbm>>
        %dma_wait3A_210 = arith.constant 0 : i32
        %dma_wait3A_211 = arith.constant 0 : i32
        %dma_wait3A_212 = tpu.memref_slice %arg8[%dma_wait3A_210, %dma_wait3A_211] : memref<320x128xf32, #tpu.memory_space<vmem>> -> memref<320x128xf32, #tpu.memory_space<vmem>>
        tpu.wait_dma2 semaphore(%run_scoped3A_192 : memref<!tpu.dma_semaphore, #tpu.memory_space<semaphore_mem>>) src(%dma_wait3A_212 : memref<320x128xf32, #tpu.memory_space<vmem>>) dst(%dma_wait3A_209 : memref<320x128xf32, #tpu.memory_space<hbm>>)
        tpu.yield
      }) : () -> ()
    } else {
    }
    %convert_element_type3A_156 = arith.extui %eq3A_1 : i1 to i32
    %cond3A_157 = arith.constant 0 : i32
    %cond3A_158 = arith.cmpi ne, %convert_element_type3A_156, %cond3A_157 : i32
    scf.if %cond3A_158 {
      %dma_wait3A_168 = arith.constant 0 : i32
      %dma_wait3A_169 = arith.constant 0 : i32
      %dma_wait3A_170 = tpu.memref_slice %arg8[%dma_wait3A_168, %dma_wait3A_169] : memref<320x128xf32, #tpu.memory_space<vmem>> -> memref<80x128xf32, #tpu.memory_space<vmem>>
      %dma_wait3A_171 = arith.constant 0 : i32
      %dma_wait3A_172 = tpu.memref_slice %arg7[%dma_wait3A_171] : memref<320xi32, #tpu.memory_space<vmem>> -> memref<80xi32, #tpu.memory_space<vmem>>
      %dma_wait3A_173 = arith.constant 0 : i32
      %dma_wait3A_174 = arith.constant 0 : i32
      %dma_wait3A_175 = tpu.memref_slice %arg2[%dma_wait3A_173, %dma_wait3A_174] : memref<10000x128xf32, #tpu.memory_space<hbm>> -> memref<10000x128xf32, #tpu.memory_space<hbm>>
      tpu.wait_indirect_dma semaphore(%arg14 : memref<!tpu.dma_semaphore, #tpu.memory_space<semaphore_mem>>) src(%dma_wait3A_175 : memref<10000x128xf32, #tpu.memory_space<hbm>>) dst(%dma_wait3A_170 : memref<80x128xf32, #tpu.memory_space<vmem>>)
      "tpu.region"() ({
        %run_scoped3A_176 = tpu.sem_alloc : memref<!tpu.dma_semaphore, #tpu.memory_space<semaphore_mem>>
        %dma_start3A_177 = arith.constant 0 : i32
        %dma_start3A_178 = arith.constant 0 : i32
        %dma_start3A_179 = tpu.memref_slice %arg8[%dma_start3A_177, %dma_start3A_178] : memref<320x128xf32, #tpu.memory_space<vmem>> -> memref<80x128xf32, #tpu.memory_space<vmem>>
        %dma_start3A_180 = arith.constant 9920 : i32
        %dma_start3A_181 = arith.constant 0 : i32
        %dma_start3A_182 = tpu.memref_slice %arg6[%dma_start3A_180, %dma_start3A_181] : memref<10000x128xf32, #tpu.memory_space<hbm>> -> memref<80x128xf32, #tpu.memory_space<hbm>>
        %dma_start3A_183 = arith.constant 9920 : i32
        %dma_start3A_184 = arith.constant 0 : i32
        %dma_start3A_185 = tpu.memref_slice %arg6[%dma_start3A_183, %dma_start3A_184] : memref<10000x128xf32, #tpu.memory_space<hbm>> -> memref<80x128xf32, #tpu.memory_space<hbm>>
        %dma_start3A_186 = arith.constant 0 : i32
        %dma_start3A_187 = arith.constant 0 : i32
        %dma_start3A_188 = tpu.memref_slice %arg8[%dma_start3A_186, %dma_start3A_187] : memref<320x128xf32, #tpu.memory_space<vmem>> -> memref<80x128xf32, #tpu.memory_space<vmem>>
        tpu.enqueue_dma source(%dma_start3A_188 : memref<80x128xf32, #tpu.memory_space<vmem>>) target(%dma_start3A_185 : memref<80x128xf32, #tpu.memory_space<hbm>>) target_semaphore(%run_scoped3A_176 : memref<!tpu.dma_semaphore, #tpu.memory_space<semaphore_mem>>)
        %dma_wait3A_189 = arith.constant 0 : i32
        %dma_wait3A_190 = arith.constant 0 : i32
        %dma_wait3A_191 = tpu.memref_slice %arg8[%dma_wait3A_189, %dma_wait3A_190] : memref<320x128xf32, #tpu.memory_space<vmem>> -> memref<80x128xf32, #tpu.memory_space<vmem>>
        %dma_wait3A_192 = arith.constant 9920 : i32
        %dma_wait3A_193 = arith.constant 0 : i32
        %dma_wait3A_194 = tpu.memref_slice %arg6[%dma_wait3A_192, %dma_wait3A_193] : memref<10000x128xf32, #tpu.memory_space<hbm>> -> memref<80x128xf32, #tpu.memory_space<hbm>>
        %dma_wait3A_195 = arith.constant 9920 : i32
        %dma_wait3A_196 = arith.constant 0 : i32
        %dma_wait3A_197 = tpu.memref_slice %arg6[%dma_wait3A_195, %dma_wait3A_196] : memref<10000x128xf32, #tpu.memory_space<hbm>> -> memref<80x128xf32, #tpu.memory_space<hbm>>
        %dma_wait3A_198 = arith.constant 0 : i32
        %dma_wait3A_199 = arith.constant 0 : i32
        %dma_wait3A_200 = tpu.memref_slice %arg8[%dma_wait3A_198, %dma_wait3A_199] : memref<320x128xf32, #tpu.memory_space<vmem>> -> memref<80x128xf32, #tpu.memory_space<vmem>>
        tpu.wait_dma2 semaphore(%run_scoped3A_176 : memref<!tpu.dma_semaphore, #tpu.memory_space<semaphore_mem>>) src(%dma_wait3A_200 : memref<80x128xf32, #tpu.memory_space<vmem>>) dst(%dma_wait3A_197 : memref<80x128xf32, #tpu.memory_space<hbm>>)
        tpu.yield
      }) : () -> ()
    } else {
    }
    %mul3A_159 = arith.constant 256 : i32
    %mul3A_160 = arith.muli %arg0, %mul3A_159 : i32
    %mul3A_161 = arith.constant 16 : i32
    %mul3A_162 = arith.muli %arg1, %mul3A_161 : i32
    %add3A_163 = arith.addi %mul3A_160, %mul3A_162 : i32
    %dma_wait3A_164 = arith.constant 0 : i32
    %dma_wait3A_165 = tpu.memref_slice %arg5[%add3A_163, %dma_wait3A_164] : memref<512x128xi32, #tpu.memory_space<hbm>> -> memref<16x128xi32, #tpu.memory_space<hbm>>
    %dma_wait3A_166 = arith.constant 0 : i32
    %dma_wait3A_167 = tpu.memref_slice %arg13[%mul3A_20, %dma_wait3A_166] : memref<256x128xi32, #tpu.memory_space<vmem_shared>> -> memref<16x128xi32, #tpu.memory_space<vmem_shared>>
    tpu.wait_dma2 semaphore(%arg15 : memref<!tpu.dma_semaphore, #tpu.memory_space<semaphore_mem>>) src(%dma_wait3A_167 : memref<16x128xi32, #tpu.memory_space<vmem_shared>>) dst(%dma_wait3A_165 : memref<16x128xi32, #tpu.memory_space<hbm>>)
    return
  }
}

module attributes {stable_mosaic.version = 14 : i64} {
  func.func @_tc_body(%arg0: memref<2x3x10000xi32, #tpu.memory_space<vmem>>, %arg1: memref<10000x128xf32, #tpu.memory_space<vmem>>, %arg2: memref<3x128xf32, #tpu.memory_space<vmem>>, %arg3: memref<10000x128xf32, #tpu.memory_space<vmem>>) attributes {dimension_semantics = [], scalar_prefetch = 0 : i64, scratch_operands = 0 : i64, tpu.core_type = #tpu.core_type<tc>} {
    %get3A = arith.constant 0 : index
    %get3A_0 = arith.constant 0 : index
    %get3A_1 = arith.constant 0 : index
    %get3A_2 = vector.load %arg0[%get3A, %get3A_0, %get3A_1] : memref<2x3x10000xi32, #tpu.memory_space<vmem>>, vector<2x3x10000xi32>
    %reduce_sum3A = arith.constant dense<0> : vector<3x10000xi32>
    %reduce_sum3A_3 = vector.multi_reduction <add>, %get3A_2, %reduce_sum3A [0] : vector<2x3x10000xi32> to vector<3x10000xi32>
    %convert_element_type3A = arith.sitofp %reduce_sum3A_3 : vector<3x10000xi32> to vector<3x10000xf32>
    %get3A_4 = arith.constant 0 : index
    %get3A_5 = arith.constant 0 : index
    %get3A_6 = vector.load %arg2[%get3A_4, %get3A_5] : memref<3x128xf32, #tpu.memory_space<vmem>>, vector<3x128xf32>
    %dot_general3A = arith.constant dense<0.000000e+00> : vector<10000x128xf32>
    %dot_general3A_7 = tpu.matmul %convert_element_type3A, %get3A_6, %dot_general3A {dimension_numbers = #tpu.dot_dimension_numbers<[0], [0], [1], [1], [0, 1, 1, 1], [], []>, transpose_lhs_hint = false} : vector<3x10000xf32>, vector<3x128xf32>, vector<10000x128xf32> -> vector<10000x128xf32>
    %get3A_8 = arith.constant 1 : index
    %get3A_9 = arith.constant 0 : index
    %get3A_10 = vector.load %arg2[%get3A_8, %get3A_9] : memref<3x128xf32, #tpu.memory_space<vmem>>, vector<1x128xf32>
    %get3A_11 = vector.shape_cast %get3A_10 : vector<1x128xf32> to vector<128xf32>
    %broadcast_in_dim3A = vector.shape_cast %get3A_11 : vector<128xf32> to vector<1x128xf32>
    %add3A = vector.broadcast %broadcast_in_dim3A : vector<1x128xf32> to vector<10000x128xf32>
    %add3A_12 = arith.addf %dot_general3A_7, %add3A : vector<10000x128xf32>
    %get3A_13 = arith.constant 0 : index
    %get3A_14 = arith.constant 0 : index
    %get3A_15 = vector.load %arg1[%get3A_13, %get3A_14] : memref<10000x128xf32, #tpu.memory_space<vmem>>, vector<10000x128xf32>
    %mul3A = arith.mulf %add3A_12, %get3A_15 : vector<10000x128xf32>
    %swap3A = arith.constant 0 : index
    %swap3A_16 = arith.constant 0 : index
    %swap3A_17 = vector.load %arg3[%swap3A, %swap3A_16] : memref<10000x128xf32, #tpu.memory_space<vmem>>, vector<10000x128xf32>
    tpu.vector_store %arg3[%swap3A, %swap3A_16], %mul3A {strides = array<i32>} : memref<10000x128xf32, #tpu.memory_space<vmem>>, vector<10000x128xf32>,
    return
  }
}

</mosaic_0001>

<sc_bundles>
// kernel: kernel.4.cloned.1.call-start
scs
__scs_entry_jumppad:
0x0: {  	(pc) =	sbr.rel $0x88, $3  }
0x1: {  	(tag) =	ssettag $0x0;
	lr =	simm.s32 $0x1  }
0x2: {  	[smem:$0x3F9D] =	sst lr;
	_ =	strace $0xD0000000  }
0x3: {  	_ = 	snop  }
0x4: {  	_ = 	snop  }
0x5: {  	_ = 	snop  }
0x6: {  	_ = 	snop  }
0x7: {  	_ = 	snop  }
__scs_overlays_trampoline_lowered:
0x8: {  	[smem:$0x3FAC] =	sst s0  }
0x9: {  	[smem:$0x3FAD] =	sst s1  }
0xa: {  	[smem:$0x3FAE] =	sst s2  }
0xb: {  	[smem:$0x3FAF] =	sst s3  }
0xc: {  	[smem:$0x3FB0] =	sst s4  }
0xd: {  	[smem:$0x3FB1] =	sst s5  }
0xe: {  	[smem:$0x3FB2] =	sst s6  }
0xf: {  	[smem:$0x3FB3] =	sst s7  }
0x10: {  	[smem:$0x3FB4] =	sst s8  }
0x11: {  	[smem:$0x3FB5] =	sst s9;
	s0 =	simm.s32 @!p0 $0x0  }
0x12: {  	s1 =	sld [smem:$0x3F9B];
	s0 =	simm.s32 @p0 $0x1  }
0x13: {  	[smem:$0x3FB6] =	sst s0;
	s0 =	simm.s32 @!p1 $0x0  }
0x14: {  	s2 =	sld [smem:$0x3F9A];
	s0 =	simm.s32 @p1 $0x1  }
0x15: {  	[smem:$0x3FB7] =	sst s0;
	s0 =	simm.s32 @!p2 $0x0  }
0x16: {  	s3 =	sld [smem:$0x3FDB];
	s0 =	simm.s32 @p2 $0x1  }
0x17: {  	s4 =	simm.s32 $0x1BF5;
	[smem:$0x3FB9] =	sst s0  }
0x18: {  	s0 =	sld [smem:$0x3F9C];
	_ =	swait.ge [sflag:s4], $0x0  }
0x19: {  	s7 =	sld [smem:$0x3F9D]  }
0x1a: {  	s8 =	sadd.s32 $0xFFFFE003, lr  }
0x1b: {  	s9 =	sadd.s32 $0xFFFFFEF7, lr;
	s5 =	simm.s32 $0xFFFFFFFF;
	p2 =	slt.u32 s8, $0xFFFFF086  }
0x1c: {  	p1 =	slt.u32 s9, $0xF7A;
	s5 =	simm.s32 @!p2 $0x0  }
0x1d: {  	s5 =	simm.s32 @p1 $0x1;
	p0 =	seq.s32 s7, s2  }
0x1e: {  	s7 =	smul.u32 @!p0 $0xF7A, s2;
	p2 =	seq.s32 @!p0 s5, $0x0  }
0x1f: {  	s9 =	smul.u32 $0xF7A, s1;
	s8 =	simm.s32 @!p0 $0x1BF5;
	p2 =	por !p2, p0  }
0x20: {  	[sflag:s8] =	ssyncset.s32 @!p0 $0xFFFFF086;
	s6 =	sadd.s32 @!p0 s3, s7;
	s7 =	simm.s32 @!p0 $0x108  }
0x21: {  	s3 =	sadd.s32 s3, s9;
	s6 =	sadd.s32 @!p0 $0x88, s6;
	s7 =	simm.s32 @p2 $0x1082  }
0x22: {  	[simem:s7], [sflag:s8] =	dma.local @!p0 [hbm:s6], $0xF7A  }
0x23: {  	s9 =	sor.u32 $0xD0000000, s2;
	s6 =	simm.s32 $0x108;
	_ =	swait.ge @!p0 [sflag:s8], $0x0  }
0x24: {  	s3 =	sadd.s32 $0x88, s3;
	s6 =	simm.s32 @!p1 $0x1082;
	[sflag:s4] =	ssyncset.s32 $0xFFFFF086  }
0x25: {  	[simem:s6], [sflag:s4] =	dma.local [hbm:s3], $0xF7A  }
0x26: {  	[smem:$0x3F9D] =	sst s1;
	(tag) =	ssettag s2;
	_ =	strace s9  }
0x27: {  	s1 =	sld [smem:$0x3FAD]  }
0x28: {  	s2 =	sld [smem:$0x3FAE]  }
0x29: {  	s4 =	sld [smem:$0x3FB0]  }
0x2a: {  	p0 =	seq.s32 s5, $0x0;
	s5 =	sld [smem:$0x3FB1]  }
0x2b: {  	s6 =	sld [smem:$0x3FB2]  }
0x2c: {  	s7 =	sld [smem:$0x3FB3]  }
0x2d: {  	s3 =	simm.s32 $0x108;
	s8 =	sld [smem:$0x3FB4]  }
0x2e: {  	s3 =	simm.s32 @!p0 $0x1082;
	s9 =	sld [smem:$0x3FB5]  }
0x2f: {  	lr =	sadd.s32 s0, s3;
	s0 =	sld [smem:$0x3FAC]  }
0x30: {  	s3 =	sld [smem:$0x3FAF]  }
0x31: {  	[smem:$0x3FB8] =	sst s10  }
0x32: {  	s10 =	sld [smem:$0x3FB6];
	_ =	sdelay $0x3  }
0x33: {  	p0 =	seq.s32 s10, $0x1;
	s10 =	sld [smem:$0x3FB8];
	_ =	sdelay $0x3  }
0x34: {  	[smem:$0x3FB8] =	sst s10  }
0x35: {  	s10 =	sld [smem:$0x3FB7];
	_ =	sdelay $0x3  }
0x36: {  	p1 =	seq.s32 s10, $0x1;
	s10 =	sld [smem:$0x3FB8];
	_ =	sdelay $0x3  }
0x37: {  	[smem:$0x3FB8] =	sst s10  }
0x38: {  	s10 =	sld [smem:$0x3FB9]  }
0x39: {  	_ = 	snop;
	(pc) =	sbr.ind lr, $3  }
0x3a: {  	_ = 	snop  }
0x3b: {  	_ = 	snop  }
0x3c: {  	p2 =	seq.s32 s10, $0x1;
	s10 =	sld [smem:$0x3FB8]  }
0x3d: {  	_ =	shalt  }
0x3e: {  	_ =	shalt  }
0x3f: {  	_ =	shalt  }
0x40: {  	_ =	shalt  }
0x41: {  	_ =	shalt  }
0x42: {  	_ =	shalt  }
0x43: {  	_ =	shalt  }
0x44: {  	_ =	shalt  }
0x45: {  	_ =	shalt  }
0x46: {  	_ =	shalt  }
0x47: {  	_ =	shalt  }
0x48: {  	_ =	shalt  }
0x49: {  	_ =	shalt  }
0x4a: {  	_ =	shalt  }
0x4b: {  	_ =	shalt  }
0x4c: {  	_ =	shalt  }
0x4d: {  	_ =	shalt  }
0x4e: {  	_ =	shalt  }
0x4f: {  	_ =	shalt  }
0x50: {  	_ =	shalt  }
0x51: {  	_ =	shalt  }
0x52: {  	_ =	shalt  }
0x53: {  	_ =	shalt  }
0x54: {  	_ =	shalt  }
0x55: {  	_ =	shalt  }
0x56: {  	_ =	shalt  }
0x57: {  	_ =	shalt  }
0x58: {  	_ =	shalt  }
0x59: {  	_ =	shalt  }
0x5a: {  	_ =	shalt  }
0x5b: {  	_ =	shalt  }
0x5c: {  	_ =	shalt  }
0x5d: {  	_ =	shalt  }
0x5e: {  	_ =	shalt  }
0x5f: {  	_ =	shalt  }
0x60: {  	_ =	shalt  }
0x61: {  	_ =	shalt  }
0x62: {  	_ =	shalt  }
0x63: {  	_ =	shalt  }
0x64: {  	_ =	shalt  }
0x65: {  	_ =	shalt  }
0x66: {  	_ =	shalt  }
0x67: {  	_ =	shalt  }
0x68: {  	_ =	shalt  }
0x69: {  	_ =	shalt  }
0x6a: {  	_ =	shalt  }
0x6b: {  	_ =	shalt  }
0x6c: {  	_ =	shalt  }
0x6d: {  	_ =	shalt  }
0x6e: {  	_ =	shalt  }
0x6f: {  	_ =	shalt  }
0x70: {  	_ =	shalt  }
0x71: {  	_ =	shalt  }
0x72: {  	_ =	shalt  }
0x73: {  	_ =	shalt  }
0x74: {  	_ =	shalt  }
0x75: {  	_ =	shalt  }
0x76: {  	_ =	shalt  }
0x77: {  	_ =	shalt  }
0x78: {  	_ =	shalt  }
0x79: {  	_ =	shalt  }
0x7a: {  	_ =	shalt  }
0x7b: {  	_ =	shalt  }
0x7c: {  	_ =	shalt  }
0x7d: {  	_ =	shalt  }
0x7e: {  	_ =	shalt  }
0x7f: {  	_ =	shalt  }
0x80: {  	_ =	shalt  }
0x81: {  	_ =	shalt  }
0x82: {  	_ =	shalt  }
0x83: {  	_ =	shalt  }
0x84: {  	_ =	shalt  }
0x85: {  	_ =	shalt  }
0x86: {  	_ =	shalt  }
0x87: {  	_ =	shalt  }
.Lfunc_end0:
.L_simem_size_0:
called_computation_lowered:
.L_overlay_start_0:
0x88: {  	s2 =	sld [smem:$0x3FD9]  }
0x89: {  	s3 =	sld [smem:$0x3FFE];
	_ =	sdelay $0x1  }
0x8a: {  	s1 =	srdreg.scid  }
0x8b: {  	s0 =	sand.u32 $0x1, s1  }
0x8c: {  	s17 =	sshll.u32 s0, $0xA;
	s2 =	sadd.s32 s3, s2  }
0x8d: {  	s2 =	sadd.s32 s2, s17  }
0x8e: {  	[smem:$0x3FC4] =	sst s2  }
0x8f: {  	_ = 	snop  }
0x90: {  	s2 =	sld [smem:$0x3FC9]  }
0x91: {  	s18 =	sld [smem:$0x3FC8]  }
0x92: {  	s4 =	sld [smem:$0x3FD0];
	(tm) =	ssettm $0x1  }
0x93: {  	s5 =	sld [smem:$0x3FFB];
	_ =	sdelay $0x3  }
0x94: {  	_ =	strace s5  }
0x95: {  	s5 =	sld [smem:$0x3FFC];
	_ =	sdelay $0x3  }
0x96: {  	_ =	strace s5  }
0x97: {  	s5 =	sld [smem:$0x3FFD];
	_ =	sdelay $0x3  }
0x98: {  	_ =	strace s5  }
0x99: {  	_ =	strace $0x8FFFFFFF  }
0x9a: {  	s19 =	sld [smem:$0x3FDB];
	_ =	sdelay $0x1  }
0x9b: {  	s6 =	simm.s32 $_scs_section_size  }
0x9c: {  	s7 =	simm.s32 $_size__tile_overlayer_lowered;
	s8 =	simm.s32 $_tile_overlayer_lowered  }
0x9d: {  	s22 =	simm.s32 $0x1BFF;
	s21 =	sshll.u32 s8, $0x1;
	s5 =	sadd.s32 s6, s19  }
0x9e: {  	s9 =	simm.s32 $0x0;
	s20 =	sshll.u32 s7, $0x1;
	s7 =	sadd.s32 s21, s5  }
0x9f: {  	[timem:s9], [sflag:s22] =	dma.local [hbm:s7], s20  }
0xa0: {  	_ =	swait.ge [sflag:s22], s20  }
0xa1: {  	s6 =	ssub.s32 $0x0, s20;
	[sflag:s22] =	ssyncset.done $0x0  }
0xa2: {  	[sflag:s22] =	ssyncadd.s32 s6;
	_ =	sdelay $0x1  }
0xa3: {  	s23 =	simm.s32 $0x1B8B  }
0xa4: {  	_ =	swait.ge [sflag:s23], $0x1  }
0xa5: {  	[sflag:s23] =	ssyncset.done $0x0  }
0xa6: {  	s25 =	simm.s32 $0x1B8E;
	s24 =	sld [smem:$0x3FFE];
	[sflag:s23] =	ssyncadd.s32 $0xFFFFFFFF  }
0xa7: {  	s26 =	simm.s32 $execute0_lowered;
	[smem:$0x3FD2] =	sst s25  }
0xa8: {  	s7 =	sshll.u32 s26, $0x1;
	_ =	strace $0x80000046;
	[dreg:$0x1] =	wrdreg $0xFFFFFFFF  }
0xa9: {  	s28 =	simm.s32 $_size_execute0_lowered;
	s5 =	sadd.s32 s5, s7;
	[dreg:$0x0] =	wrdreg $0x0  }
0xaa: {  	s7 =	sshll.u32 s28, $0x1;
	[dreg:$0x2] =	wrdreg s5  }
0xab: {  	[dreg:$0x3] =	wrdreg s7  }
0xac: {  	[dreg:$0x4] =	wrdreg $0xC0  }
0xad: {  	_ =	task [dreg:s9], $0x5FFFF  }
0xae: {  	[dreg:$0x1] =	wrdreg $0xFFFFFFFF  }
0xaf: {  	[dreg:$0x0] =	wrdreg $0x60  }
0xb0: {  	[dreg:$0x2] =	wrdreg s2  }
0xb1: {  	[dreg:$0x3] =	wrdreg s18  }
0xb2: {  	[dreg:$0x4] =	wrdreg s24  }
0xb3: {  	[dreg:$0x5] =	wrdreg s4  }
0xb4: {  	[dreg:$0x6] =	wrdreg $0x171800  }
0xb5: {  	[dreg:$0x7] =	wrdreg $0x9  }
0xb6: {  	_ =	task.clear_ibuf [dreg:s9], $0x8FFFF;
	_ =	strace $0x90000046  }
0xb7: {  	s29 =	simm.s32 $0x9;
	_ =	strace $0x80000048  }
0xb8: {  	_ =	swait.ge [sflag:s29], $0x1  }
0xb9: {  	[sflag:s29] =	ssyncadd.s32 $0xFFFFFFFF  }
0xba: {  	_ =	strace $0x90000048  }
0xbb: {  	_ =	sfence  }
0xbc: {  	s30 =	sld [smem:$0x0];
	_ =	sdelay $0x2  }
0xbd: {  	s31 =	sshll.u32 s1, $0xD;
	s1 =	sshrl.u32 s1, $0x2  }
0xbe: {  	s3 =	sand.u32 $0x4000, s31;
	s1 =	sadd.s32 s1, s30  }
0xbf: {  	s0 =	sor.u32 s3, s0;
	s1 =	sshll.u32 s1, $0x11  }
0xc0: {  	s0 =	sor.u32 s1, s0  }
0xc1: {  	s0 =	sadd.s32 $0x8F2B, s0  }
0xc2: {  	[sflag:s0] =	ssyncadd.remote.s32 $0x1  }
0xc3: {  	_ =	sfence.sel $0xFFFF  }
0xc4: {  	[dreg:$0x0] =	wrdreg $0xFFFFFFFF;
	(pc) =	sbr.abs _section_cstart, $3  }
0xc5: {  	[dreg:$0x1] =	wrdreg $0xFFFFFFFF  }
0xc6: {  	_ =	task.clear_ibuf [dreg:s9], $0x2FFFF;
	_ =	strace $0x9FFFFFFF  }
0xc7: {  	(tm) =	ssettm $0x7FFFFFFF  }
tec
execute0_lowered:
.L_overlay_start_1:
0x0: {  	(tag) =	ssettag $0x1  }
0x1: {  	s1 =	rddreg [dreg:$0x0]  }
0x2: {  	s6 =	rddreg [dreg:$0x1]  }
0x3: {  	s5 =	rddreg [dreg:$0x2]  }
0x4: {  	s2 =	srdreg.scid;
	s13 =	rddreg [dreg:$0x3]  }
0x5: {  	s0 =	stileid.u32;
	s3 =	rddreg [dreg:$0x4]  }
0x6: {  	s4 =	simm.s32 $0x0;
	s17 =	simm.s32 $0x4;
	s18 =	simm.s32 $0x3  }
0x7: {  	s19 =	simm.s32 $0xF080;
	s20 =	simm.s32 $0x80;
	s21 =	simm.s32 $0x17080  }
0x8: {  	s22 =	simm.s32 $0x17100;
	s23 =	simm.s32 $0x13080;
	s24 =	simm.s32 $0x2  }
0x9: {  	s7 =	sand.u32 $0x1, s2;
	s30 =	sshll.u32 s0, $0x1;
	s2 =	rddreg [dreg:$0x5]  }
0xa: {  	s25 =	simm.s32 $0x0;
	[smem:$0x7FF] =	sst s4;
	s15 =	sor.u32 s7, s30  }
0xb: {  	s10 =	sshll.u32 s0, $0xB;
	s9 =	sshll.u32 s7, $0xF;
	s8 =	smul.u32 $0x2710, s15  }
0xc: {  	_ =	strace $0x80000047;
	s7 =	ssub.s32 $0x2, s7;
	s11 =	smul.u32 $0x28, s15  }
0xd: {  	s9 =	sor.u32 s10, s9;
	s31 =	sshrl.u32 s7, $0x1;
	s16 =	smul.u32 $0x1400, s15  }
0xe: {  	v0 =	vimm.s32 $0x0;
	v1 =	vlaneseq.u32;
	p0 =	seq.s32 s15, $0x1F;
	s15 =	simm.s32 $0xA180;
	s9 =	sshrl.u32 s9, $0x3  }
0xf: {  	v2 =	vor.u32 $0x10, v1;
	v3 =	vor.u32 $0x20, v1;
	v4 =	vor.u32 $0x30, v1;
	s14 =	ssub.s32 s7, s31;
	s8 =	sshrl.u32 s8, $0x3;
	s12 =	sadd.s32 s9, s5  }
0x10: {  	v5 =	vor.u32 $0x40, v1;
	v6 =	vor.u32 $0x50, v1;
	v7 =	vor.u32 $0x60, v1;
	s9 =	sadd.s32 s10, s3;
	s10 =	sadd.s32 $0xF080, s10;
	s14 =	smax.u32 s14, $0x1  }
0x11: {  	v8 =	vor.u32 $0x70, v1;
	v9 =	vor.u32 $0x80, v1;
	v10 =	vor.u32 $0x90, v1;
	s8 =	sadd.s32 s8, s5;
	s5 =	sadd.s32 s6, s11;
	s6 =	sadd.s32 $0x4D8, s6  }
0x12: {  	v11 =	vor.u32 $0xA0, v1;
	v12 =	vor.u32 $0xB0, v1;
	v13 =	vor.u32 $0xC0, v1;
	s11 =	sadd.s32 $0x14600, s12;
	s12 =	sadd.s32 s13, s16;
	s13 =	sadd.s32 $0x26C00, s13  }
0x13: {  	v14 =	vor.u32 $0xD0, v1;
	v15 =	vor.u32 $0xE0, v1;
	v16 =	vor.u32 $0xF0, v1;
	s16 =	simm.s32 $0xC900;
	s7 =	sadd.s32 $0xC00, s8;
	s8 =	sadd.s32 $0xA840, s8  }
.LBB2_1:
0x14: {  	s26 =	simm.s32 @p0 $0x0;
	s28 =	simm.s32 @p0 $0x4  }
0x15: {  	[tilespmem:s26], [sflag:$0x4] =	stream.linear.gather @p0 [hbm4b:s6+s26], $0x50, $0x38;
	[tilespmem:$0x17980] =	vst v63  }
0x16: {  	_ =	swait.ge @p0 [sflag:s28], $0x50  }
0x17: {  	[sflag:s28] =	ssyncset.done @p0 $0x0  }
0x18: {  	s29 =	simm.s32 @p0 $0x180;
	[sflag:s28] =	ssyncadd.s32 @p0 $0xFFFFFFB0;
	s28 =	simm.s32 @p0 $0x50  }
0x19: {  	[tilespmem:s29], [sflag:$0x1] =	stream.indirect.gather @p0 [hbm4b:s1+s28], $0x80, s26, s28, $0xb8;
	[tilespmem:$0x17980] =	vst v63  }
0x1a: {  	s26 =	simm.s32 @!p0 $0x0;
	s28 =	simm.s32 @!p0 $0x4  }
0x1b: {  	[tilespmem:s26], [sflag:$0x4] =	stream.linear.gather @!p0 [hbm4b:s5+s26], $0x140, $0x38;
	[tilespmem:$0x17980] =	vst v63  }
0x1c: {  	_ =	swait.ge @!p0 [sflag:s28], $0x140  }
0x1d: {  	[sflag:s28] =	ssyncset.done @!p0 $0x0  }
0x1e: {  	s29 =	simm.s32 @!p0 $0x180;
	[sflag:s28] =	ssyncadd.s32 @!p0 $0xFFFFFEC0;
	s28 =	simm.s32 @!p0 $0x80  }
0x1f: {  	[tilespmem:s29], [sflag:$0x1] =	stream.indirect.gather @!p0 [hbm4b:s1+s28], $0x80, s26, s28, $0xb8;
	[tilespmem:$0x17980] =	vst v63  }
0x20: {  	s26 =	simm.s32 @!p0 $0x4180  }
0x21: {  	[tilespmem:s26], [sflag:$0x1] =	stream.indirect.gather @!p0 [hbm4b:s1+s28], $0x80, s28, s28, $0xb8;
	[tilespmem:$0x17980] =	vst v63  }
0x22: {  	s29 =	simm.s32 @!p0 $0x8180;
	s26 =	simm.s32 @!p0 $0x40;
	s28 =	simm.s32 @!p0 $0x100  }
0x23: {  	[tilespmem:s29], [sflag:$0x1] =	stream.indirect.gather @!p0 [hbm4b:s1+s26], $0x80, s28, s26, $0xb8;
	[tilespmem:$0x17980] =	vst v63  }
0x24: {  	_ = 	snop  }
0x25: {  	[tilespmem:s15], [sflag:$0x3] =	stream.linear.gather [hbm4b:s7+s4], $0x2710, $0x38;
	[tilespmem:$0x17980] =	vst v63  }
0x26: {  	s26 =	simm.s32 $0xF100  }
0x27: {  	[tilespmem:s16], [sflag:$0x3] =	stream.linear.gather [hbm4b:s8+s4], $0x2710, $0x38;
	[tilespmem:$0x17980] =	vst v63  }
0x28: {  	[tilespmem:s26+$0xFFFFFF80] =	vst v0  }
0x29: {  	[tilespmem:s26+$0x70] =	vst v0  }
0x2a: {  	[tilespmem:s26+$0x60] =	vst v0  }
0x2b: {  	[tilespmem:s26+$0x50] =	vst v0  }
0x2c: {  	[tilespmem:s26+$0x40] =	vst v0  }
0x2d: {  	[tilespmem:s26+$0x30] =	vst v0  }
0x2e: {  	[tilespmem:s26+$0x20] =	vst v0  }
0x2f: {  	[tilespmem:s26+$0x10] =	vst v0  }
0x30: {  	[tilespmem:s26+$0x0] =	vst v0  }
0x31: {  	[tilespmem:s26+$0xFFFFFFF0] =	vst v0  }
0x32: {  	[tilespmem:s26+$0xFFFFFFE0] =	vst v0  }
0x33: {  	[tilespmem:s26+$0xFFFFFFD0] =	vst v0  }
0x34: {  	[tilespmem:s26+$0xFFFFFFC0] =	vst v0  }
0x35: {  	[tilespmem:s26+$0xFFFFFFB0] =	vst v0  }
0x36: {  	s28 =	simm.s32 $0x0;
	[tilespmem:s26+$0xFFFFFFA0] =	vst v0  }
.LBB2_2:
0x37: {  	s28 =	sadd.s32 $0x2, s28;
	[tilespmem:s26+$0xFFFFFF90] =	vst v0;
	s26 =	sadd.s32 $0x100, s26  }
0x38: {  	[tilespmem:s26+$0xFFFFFF80] =	vst v0;
	p1 =	slt.u32 s28, $0xFE  }
0x39: {  	[tilespmem:s26+$0x70] =	vst v0  }
0x3a: {  	[tilespmem:s26+$0x60] =	vst v0  }
0x3b: {  	[tilespmem:s26+$0x50] =	vst v0  }
0x3c: {  	[tilespmem:s26+$0x40] =	vst v0  }
0x3d: {  	[tilespmem:s26+$0x30] =	vst v0  }
0x3e: {  	[tilespmem:s26+$0x20] =	vst v0  }
0x3f: {  	[tilespmem:s26+$0x10] =	vst v0  }
0x40: {  	[tilespmem:s26+$0x0] =	vst v0  }
0x41: {  	[tilespmem:s26+$0xFFFFFFF0] =	vst v0  }
.Ltmp0:
0x42: {  	[tilespmem:s26+$0xFFFFFFE0] =	vst v0;
	(pc) =	sbr.rel @p1 .LBB2_2-.Ltmp0, $4  }
0x43: {  	[tilespmem:s26+$0xFFFFFFD0] =	vst v0  }
0x44: {  	[tilespmem:s26+$0xFFFFFFC0] =	vst v0  }
0x45: {  	[tilespmem:s26+$0xFFFFFFB0] =	vst v0  }
0x46: {  	[tilespmem:s26+$0xFFFFFFA0] =	vst v0  }
0x47: {  	[tilespmem:s26+$0xFFFFFF90] =	vst v0  }
0x48: {  	[spmem:s9] =	stream.linear.scatter [tilespmem:s10], [sflag:$0x4], $0x800, $0x38;
	[tilespmem:$0x17980] =	vst v63  }
0x49: {  	_ =	swait.ge [sflag:s17], $0x800  }
0x4a: {  	[sflag:s17] =	ssyncset.done $0x0  }
0x4b: {  	[sflag:s17] =	ssyncadd.s32 $0xFFFFF800  }
0x4c: {  	[tilespmem:$0x17080] =	vst v1  }
0x4d: {  	[tilespmem:$0x17090] =	vst v2  }
0x4e: {  	[tilespmem:$0x170A0] =	vst v3  }
0x4f: {  	[tilespmem:$0x170B0] =	vst v4  }
0x50: {  	[tilespmem:$0x170C0] =	vst v5  }
0x51: {  	[tilespmem:$0x170D0] =	vst v6  }
0x52: {  	[tilespmem:$0x170E0] =	vst v7  }
0x53: {  	[tilespmem:$0x170F0] =	vst v8  }
0x54: {  	[tilespmem:$0x17100] =	vst v9  }
0x55: {  	[tilespmem:$0x17110] =	vst v10  }
0x56: {  	[tilespmem:$0x17120] =	vst v11  }
0x57: {  	[tilespmem:$0x17130] =	vst v12  }
0x58: {  	[tilespmem:$0x17140] =	vst v13  }
0x59: {  	[tilespmem:$0x17150] =	vst v14  }
0x5a: {  	[tilespmem:$0x17160] =	vst v15  }
0x5b: {  	[tilespmem:$0x17170] =	vst v16  }
0x5c: {  	_ =	swait.ge [sflag:s18], $0x2710  }
0x5d: {  	[sflag:s18] =	ssyncset.done $0x0  }
0x5e: {  	[sflag:s18] =	ssyncadd.s32 $0xFFFFD8F0  }
0x5f: {  	_ =	swait.ge [sflag:s18], $0x2710  }
0x60: {  	[sflag:s18] =	ssyncset.done $0x0  }
0x61: {  	s30 =	simm.s32 $0xA1A0;
	[sflag:s18] =	ssyncadd.s32 $0xFFFFD8F0  }
0x62: {  	s28 =	simm.s32 $0xC920;
	v17 =	vld [tilespmem:s30+$0x10]  }
0x63: {  	v18 =	vld [tilespmem:s28+$0x10];
	_ =	sdelay $0x1  }
0x64: {  	v19 =	vld [tilespmem:s30+$0xFFFFFFF0]  }
0x65: {  	v20 =	vld [tilespmem:s28+$0xFFFFFFF0];
	_ =	sdelay $0x1  }
0x66: {  	v18 =	vsub.s32 v18, v17  }
0x67: {  	v18 =	vmul.u32 $0x2710, v18;
	_ =	sdelay $0x1  }
0x68: {  	v22 =	vld [tilespmem:s30+$0x0];
	v20 =	vsub.s32 v20, v19;
	v17 =	vadd.s32 v18, v17  }
0x69: {  	v23 =	vld [tilespmem:s28+$0x0];
	v18 =	vmul.u32 $0x2710, v20;
	v25 =	vadd.s32 $0x2710, v17  }
0x6a: {  	v21 =	vld [tilespmem:s28+$0xFFFFFFE0];
	(xrf1) =	vunique.msk.u32 $0xffff, v25  }
0x6b: {  	v24 =	vld [tilespmem:s30+$0xFFFFFFE0];
	v17 =	vadd.s32 v18, v19  }
0x6c: {  	s28 =	simm.s32 $0xC960;
	v31 =	vadd.s32 $0x2710, v17  }
0x6d: {  	s31 =	simm.s32 $0xA1E0;
	v20 =	vld [tilespmem:s28+$0x10];
	(xrf1) =	vunique.msk.u32 $0xffff, v31  }
0x6e: {  	v19 =	vld [tilespmem:s31+$0x10];
	v17 =	vsub.s32 v23, v22  }
0x6f: {  	v27 =	vld [tilespmem:s31+$0x0];
	v17 =	vmul.u32 $0x2710, v17  }
0x70: {  	v18 =	vsub.s32 v21, v24;
	v23 =	vld [tilespmem:s28+$0xFFFFFFF0]  }
0x71: {  	v18 =	vmul.u32 $0x2710, v18;
	v17 =	vadd.s32 v17, v22;
	v22 =	vld [tilespmem:s31+$0xFFFFFFF0]  }
0x72: {  	v28 =	vld [tilespmem:s31+$0xFFFFFFE0]  }
0x73: {  	v18 =	vadd.s32 v18, v24;
	v24 =	vld [tilespmem:s28+$0x0];
	v17 =	vadd.s32 $0x2710, v17;
	v20 =	vsub.s32 v20, v19  }
0x74: {  	v21 =	vld [tilespmem:s28+$0xFFFFFFE0];
	(xrf1) =	vunique.msk.u32 $0xffff, v17;
	v20 =	vmul.u32 $0x2710, v20  }
0x75: {  	v18 =	vadd.s32 $0x2710, v18  }
0x76: {  	s26 =	simm.s32 $0xC9A0;
	(xrf1) =	vunique.msk.u32 $0xffff, v18;
	v19 =	vadd.s32 v20, v19;
	v23 =	vsub.s32 v23, v22  }
0x77: {  	v30 =	vld [tilespmem:s26+$0x10];
	s28 =	simm.s32 $0xA220;
	v19 =	vadd.s32 $0x2710, v19;
	v20 =	vmul.u32 $0x2710, v23  }
0x78: {  	v29 =	vld [tilespmem:s28+$0x10];
	v23 =	vsub.s32 v24, v27;
	_, v32, vm0 =	vpop (xrf1);
	(xrf1) =	vunique.msk.u32 $0xffff, v19  }
0x79: {  	v21 =	vsub.s32 v21, v28;
	v23 =	vmul.u32 $0x2710, v23;
	v20 =	vadd.s32 v20, v22  }
0x7a: {  	v22 =	vmul.u32 $0x2710, v21;
	v21 =	vadd.s32 $0x2710, v20  }
0x7b: {  	v20 =	vadd.s32 v23, v27;
	_, v34, vm2 =	vpop (xrf1);
	(xrf1) =	vunique.msk.u32 $0xffff, v21  }
0x7c: {  	v33 =	vld [tilespmem:s26+$0xFFFFFFF0];
	v20 =	vadd.s32 $0x2710, v20  }
0x7d: {  	v26 =	vld [tilespmem:s28+$0xFFFFFFF0];
	v30 =	vsub.s32 v30, v29;
	v22 =	vadd.s32 v22, v28;
	(xrf1) =	vunique.msk.u32 $0xffff, v20  }
0x7e: {  	v35 =	vld [tilespmem:s26+$0x0];
	v23 =	vmul.u32 $0x2710, v30;
	v22 =	vadd.s32 $0x2710, v22  }
0x7f: {  	v24 =	vld [tilespmem:s28+$0x0];
	(xrf1) =	vunique.msk.u32 $0xffff, v22  }
0x80: {  	v27 =	vld [tilespmem:s26+$0xFFFFFFE0];
	v23 =	vadd.s32 v23, v29  }
0x81: {  	v29 =	vld [tilespmem:s28+$0xFFFFFFE0];
	v23 =	vadd.s32 $0x2710, v23  }
0x82: {  	v30 =	vsub.s32 v33, v26;
	[tilespmem:v25+s19+$0x0] =	vst.idx.add.s32.msk vm0, v32;
	_, v28, vm0 =	vpop (xrf1);
	(xrf1) =	vunique.msk.u32 $0xffff, v23  }
0x83: {  	v30 =	vmul.u32 $0x2710, v30  }
0x84: {  	s29 =	simm.s32 $0xA260;
	s28 =	simm.s32 $0x80;
	_, v25, vm1 =	vpop (xrf1);
	[tilespmem:v31+s19+$0x0] =	vst.idx.add.s32.msk vm2, v34;
	v31 =	vsub.s32 v35, v24  }
.LBB2_4:
0x85: {  	v32 =	vld [tilespmem:s29+$0x10];
	v26 =	vadd.s32 v30, v26;
	v30 =	vmul.u32 $0x2710, v31;
	s26 =	sadd.s32 $0x40, s26;
	v33 =	vmovc v28;
	vm2 =	vmmov vm0  }
0x86: {  	s28 =	sadd.s32 $0x40, s28;
	vm3 =	vmmov vm1;
	v28 =	vld [tilespmem:s26+$0x10];
	v38 =	vsub.s32 v27, v29;
	v34 =	vadd.s32 $0x2710, v26;
	_, v35, vm4 =	vpop (xrf1)  }
0x87: {  	p1 =	slt.u32 s28, $0x26C0;
	v27 =	vld [tilespmem:s26+$0xFFFFFFE0];
	v37 =	vmul.u32 $0x2710, v38;
	v24 =	vadd.s32 v30, v24;
	(xrf1) =	vunique.msk.u32 $0xffff, v34  }
0x88: {  	v26 =	vld [tilespmem:s29+$0xFFFFFFF0];
	v36 =	vadd.s32 $0x2710, v24  }
0x89: {  	v30 =	vld [tilespmem:s26+$0xFFFFFFF0];
	v29 =	vadd.s32 v37, v29;
	(xrf1) =	vunique.msk.u32 $0xffff, v36;
	_, v31, vm5 =	vpop (xrf1)  }
0x8a: {  	v24 =	vld [tilespmem:s29+$0x0];
	v37 =	vadd.s32 $0x2710, v29  }
0x8b: {  	v38 =	vld [tilespmem:s26+$0x0];
	v29 =	vsub.s32 v28, v32;
	(xrf1) =	vunique.msk.u32 $0xffff, v37;
	_, v28, vm0 =	vpop (xrf1)  }
.Ltmp1:
0x8c: {  	v39 =	vmul.u32 $0x2710, v29;
	[tilespmem:v19+s19+$0x0] =	vst.idx.add.s32.msk vm4, v35;
	v19 =	vmov v23;
	(pc) =	sbr.rel @p1 .LBB2_4-.Ltmp1, $4  }
0x8d: {  	v29 =	vld [tilespmem:s29+$0xFFFFFFE0];
	_, v35, vm1 =	vpop (xrf1)  }
0x8e: {  	v23 =	vsub.s32 v30, v26;
	v32 =	vadd.s32 v39, v32;
	[tilespmem:v18+s19+$0x0] =	vst.idx.add.s32.msk vm3, v25;
	v18 =	vmov v22  }
0x8f: {  	v22 =	vmovc v37;
	v25 =	vmovc v35;
	v30 =	vmul.u32 $0x2710, v23;
	v23 =	vadd.s32 $0x2710, v32;
	[tilespmem:v21+s19+$0x0] =	vst.idx.add.s32.msk vm5, v31;
	v21 =	vmov v34  }
0x90: {  	s29 =	sadd.s32 $0x40, s29;
	v31 =	vsub.s32 v38, v24;
	(xrf1) =	vunique.msk.u32 $0xffff, v23;
	[tilespmem:v17+s19+$0x0] =	vst.idx.add.s32.msk vm2, v33;
	v17 =	vmovc v20;
	v20 =	vmov v36  }
0x91: {  	_ = 	snop  }
0x92: {  	v31 =	vmul.u32 $0x2710, v31;
	v27 =	vsub.s32 v27, v29  }
0x93: {  	v26 =	vadd.s32 v30, v26;
	v27 =	vmul.u32 $0x2710, v27  }
0x94: {  	v26 =	vadd.s32 $0x2710, v26;
	v24 =	vadd.s32 v31, v24  }
0x95: {  	(xrf1) =	vunique.msk.u32 $0xffff, v26;
	v24 =	vadd.s32 $0x2710, v24;
	v27 =	vadd.s32 v27, v29  }
0x96: {  	(xrf1) =	vunique.msk.u32 $0xffff, v24;
	v27 =	vadd.s32 $0x2710, v27  }
0x97: {  	(xrf1) =	vunique.msk.u32 $0xffff, v27;
	_ =	sdelay $0x4  }
0x98: {  	_, v61, vm2 =	vpop (xrf1)  }
0x99: {  	vm1 =	vmmov vm1  }
0x9a: {  	vm0 =	vmmov vm0;
	_, v62, vm3 =	vpop (xrf1)  }
0x9b: {  	_, v63, vm4 =	vpop (xrf1)  }
0x9c: {  	vm12 =	vmmov vm4;
	_, v32, vm5 =	vpop (xrf1)  }
0x9d: {  	vm5 =	vmmov vm5  }
0x9e: {  	[tilespmem:v19+s19+$0x0] =	vst.idx.add.s32.msk vm2, v61;
	_, v33, vm6 =	vpop (xrf1)  }
0x9f: {  	[tilespmem:v18+s19+$0x0] =	vst.idx.add.s32.msk vm1, v25;
	_, v34, vm7 =	vpop (xrf1)  }
0xa0: {  	[tilespmem:v17+s19+$0x0] =	vst.idx.add.s32.msk vm0, v28;
	_, v19, vm2 =	vpop (xrf1)  }
0xa1: {  	[tilespmem:v21+s19+$0x0] =	vst.idx.add.s32.msk vm3, v62;
	_, v18, vm13 =	vpop (xrf1)  }
0xa2: {  	[tilespmem:v20+s19+$0x0] =	vst.idx.add.s32.msk vm12, v63  }
0xa3: {  	[tilespmem:v22+s19+$0x0] =	vst.idx.add.s32.msk vm5, v32  }
0xa4: {  	[tilespmem:v23+s19+$0x0] =	vst.idx.add.s32.msk vm6, v33  }
0xa5: {  	[tilespmem:v26+s19+$0x0] =	vst.idx.add.s32.msk vm7, v34  }
0xa6: {  	[tilespmem:v24+s19+$0x0] =	vst.idx.add.s32.msk vm2, v19  }
0xa7: {  	[tilespmem:v27+s19+$0x0] =	vst.idx.add.s32.msk vm13, v18  }
0xa8: {  	v17 =	vld [tilespmem:$0xC880]  }
0xa9: {  	v18 =	vld [tilespmem:$0xF000];
	_ =	sdelay $0x4  }
0xaa: {  	v18 =	vsub.s32 v18, v17  }
0xab: {  	v18 =	vmul.u32 $0x2710, v18;
	_ =	sdelay $0x1  }
0xac: {  	v17 =	vadd.s32 v18, v17  }
0xad: {  	v17 =	vadd.s32 $0x2710, v17  }
0xae: {  	(xrf1) =	vunique.msk.u32 $0xffff, v17;
	_ =	sdelay $0xd  }
0xaf: {  	_, v18, vm0 =	vpop (xrf1);
	_ =	sdelay $0x5  }
0xb0: {  	[tilespmem:v17+s19+$0x0] =	vst.idx.add.s32.msk vm0, v18  }
0xb1: {  	[bflag:$0x0] =	sbarrier.arrive $0xFFFF  }
0xb2: {  	[spmem:s3] =	stream.indirect.scatter.add.s32 [tilespmem:s19], [sflag:$0x4], $0x80, s21, s20, $0xb8;
	[tilespmem:$0x17980] =	vst v63  }
0xb3: {  	_ =	swait.ge [sflag:s17], $0x4000  }
0xb4: {  	[sflag:s17] =	ssyncset.done $0x0  }
0xb5: {  	[sflag:s17] =	ssyncadd.s32 $0xFFFFC000  }
0xb6: {  	[spmem:s3] =	stream.indirect.scatter.add.s32 [tilespmem:s23], [sflag:$0x4], $0x80, s22, s20, $0xb8;
	[tilespmem:$0x17980] =	vst v63  }
0xb7: {  	_ =	swait.ge [sflag:s17], $0x4000  }
0xb8: {  	[sflag:s17] =	ssyncset.done $0x0  }
0xb9: {  	s26 =	sshll.u32 s0, $0x6;
	[sflag:s17] =	ssyncadd.s32 $0xFFFFC000  }
0xba: {  	s28 =	sshrl.u32 s9, $0x3;
	s26 =	sor.u32 $0x1C02, s26;
	[bflag:$0x0] =	sbarrier.arrive $0xFFFF  }
0xbb: {  	[hbm:s11], [sflag:s26] =	dma.local [spmem:s28], $0x100  }
0xbc: {  	s26 =	simm.s32 @p0 $0x1  }
0xbd: {  	_ =	swait.ge @p0 [sflag:s26], $0x2800  }
0xbe: {  	[sflag:s26] =	ssyncset.done @p0 $0x0  }
0xbf: {  	s28 =	simm.s32 @p0 $0x180;
	[sflag:s26] =	ssyncadd.s32 @p0 $0xFFFFD800;
	s26 =	simm.s32 @p0 $0x0  }
0xc0: {  	[hbm4b:s13+s26] =	stream.linear.scatter @p0 [tilespmem:s28], [sflag:$0x4], $0x2800, $0x38;
	[tilespmem:$0x17980] =	vst v63  }
0xc1: {  	s26 =	simm.s32 @p0 $0x4  }
0xc2: {  	_ =	swait.ge @p0 [sflag:s26], $0x2800  }
0xc3: {  	[sflag:s26] =	ssyncset.done @p0 $0x0  }
0xc4: {  	[sflag:s26] =	ssyncadd.s32 @p0 $0xFFFFD800;
	s26 =	simm.s32 @!p0 $0x1  }
0xc5: {  	_ =	swait.ge @!p0 [sflag:s26], $0x4000  }
0xc6: {  	[sflag:s26] =	ssyncset.done @!p0 $0x0  }
0xc7: {  	[sflag:s26] =	ssyncadd.s32 @!p0 $0xFFFFC000  }
0xc8: {  	_ =	swait.ge @!p0 [sflag:s26], $0x4000  }
0xc9: {  	[sflag:s26] =	ssyncset.done @!p0 $0x0  }
0xca: {  	[sflag:s26] =	ssyncadd.s32 @!p0 $0xFFFFC000  }
0xcb: {  	_ =	swait.ge @!p0 [sflag:s26], $0x2000  }
0xcc: {  	[sflag:s26] =	ssyncset.done @!p0 $0x0  }
0xcd: {  	s28 =	simm.s32 @!p0 $0x180;
	[sflag:s26] =	ssyncadd.s32 @!p0 $0xFFFFE000;
	s26 =	simm.s32 @!p0 $0x0  }
0xce: {  	[hbm4b:s12+s26] =	stream.linear.scatter @!p0 [tilespmem:s28], [sflag:$0x4], $0xA000, $0x38;
	[tilespmem:$0x17980] =	vst v63  }
0xcf: {  	s25 =	sadd.s32 $0x1, s25;
	s26 =	simm.s32 @!p0 $0x4  }
0xd0: {  	p1 =	sne.s32 s25, s14;
	_ =	swait.ge @!p0 [sflag:s26], $0xA000  }
.Ltmp2:
0xd1: {  	[sflag:s26] =	ssyncset.done @!p0 $0x0;
	(pc) =	sbr.rel @p1 .LBB2_1-.Ltmp2, $4  }
0xd2: {  	[sflag:s26] =	ssyncadd.s32 @!p0 $0xFFFF6000  }
0xd3: {  	_ =	swait.ge [sflag:s24], $0x100  }
0xd4: {  	[sflag:s24] =	ssyncset.done $0x0  }
0xd5: {  	vm15 =	vmmov vm2;
	vm14 =	vmmov vm13;
	[sflag:s24] =	ssyncadd.s32 $0xFFFFFF00  }
0xd6: {  	_ =	sfence.sel $0x180000  }
0xd7: {  	[bflag:$0x0] =	sbarrier.arrive $0xFFFF  }
0xd8: {  	p0 =	sne.s32 s0, $0x0;
	_ =	strace $0x90000047  }
0xd9: {  	s0 =	sadd.s32 @!p0 $0x100000, s2;
	[bflag:$0x2] =	sbarrier.arrive $0xFFFF  }
0xda: {  	[sflag:s0] =	ssyncadd.tile.s32 @!p0 $0x1;
	_ =	shalt  }
.Lfunc_end2:
_tile_overlayer_lowered:
.L_overlay_start_2:
0xdb: {  	(tag) =	ssettag $0x2  }
0xdc: {  	s0 =	rddreg [dreg:$0x0];
	s2 =	stileid.u32  }
0xdd: {  	s1 =	rddreg [dreg:$0x1];
	p0 =	sne.s32 s2, $0x0  }
0xde: {  	s3 =	rddreg [dreg:$0x2];
	[bflag:$0x3] =	sbarrier.arrive $0xFFFF;
	s2 =	simm.s32 @!p0 $0x1C04  }
0xdf: {  	[timem:s3], [sflag:s2] =	dma.local @!p0 [hbm:s0], s1  }
0xe0: {  	s0 =	simm.s32 @!p0 $0x4  }
0xe1: {  	_ =	swait.ge @!p0 [sflag:s0], s1  }
0xe2: {  	s1 =	ssub.s32 @!p0 $0x0, s1;
	[sflag:s0] =	ssyncset.done @!p0 $0x0  }
0xe3: {  	[sflag:s0] =	ssyncadd.s32 @!p0 s1  }
0xe4: {  	[bflag:$0x3] =	sbarrier.arrive $0xFFFF  }
0xe5: {  	_ =	shalt  }

</sc_bundles>
